<compile_context>
chip_gen: v7x
topology: tpu7x:2x2x1
jax: 0.10.2.dev20260603
libtpu: 0.0.44.dev20260713+nightly
codegen_flags: <defaults>
</compile_context>

<pallas_src>
import jax
import jax.numpy as jnp
from jax import lax
from jax.experimental import pallas as pl
from jax.experimental.pallas import tpu as pltpu
from jax.experimental.pallas import tpu_sc as plsc

NC, NS = 2, 16

N = 10000
E = 160000
D = 256
HD = D // 2

K = 125
NCHUNK = E // K
CPT_AGG = NCHUNK // NS
CPT_DEG = NCHUNK // (NC * NS)
NPAD = 10240
RPT = NPAD // NS

_mesh = plsc.VectorSubcoreMesh(
    core_axis_name="c", subcore_axis_name="s", num_cores=NC, num_subcores=NS
)


def _deg_body(dst_hbm, zeros_hbm, ones_hbm, deg_out, idx_v, ones_v, acc):
    c = lax.axis_index("c")
    s = lax.axis_index("s")
    t = c * NS + s
    pltpu.sync_copy(zeros_hbm.at[pl.ds(s * 640, 640)], acc.at[pl.ds(s * 640, 640)])
    pltpu.sync_copy(ones_hbm, ones_v)
    pltpu.sync_copy(dst_hbm.at[pl.ds(t * CPT_DEG, CPT_DEG)], idx_v)
    plsc.subcore_barrier()

    def body(j, carry):
        pltpu.sync_copy(ones_v, acc.at[idx_v.at[j]], add=True)
        return carry

    lax.fori_loop(0, CPT_DEG, body, 0)
    plsc.subcore_barrier()
    pltpu.sync_copy(acc.at[pl.ds(s * 640, 640)], deg_out.at[c, pl.ds(s * 640, 640)])


_deg_call = pl.kernel(
    _deg_body,
    out_type=jax.ShapeDtypeStruct((NC, NPAD), jnp.float32),
    mesh=_mesh,
    scratch_types=[
        pltpu.VMEM((CPT_DEG, K), jnp.int32),
        pltpu.VMEM((K,), jnp.float32),
        pltpu.VMEM_SHARED((NPAD,), jnp.float32),
    ],
)


def _agg_body(g3, src_hbm, dst_hbm, s_out, srcv, dstv, rows0, acc):
    c = lax.axis_index("c")
    s = lax.axis_index("s")
    g = g3.at[c]
    rbase = s * RPT

    pltpu.sync_copy(g3.at[c, pl.ds(rbase, RPT)], acc.at[pl.ds(rbase, RPT)])
    pltpu.sync_copy(src_hbm.at[pl.ds(s * CPT_AGG, CPT_AGG)], srcv)
    pltpu.sync_copy(dst_hbm.at[pl.ds(s * CPT_AGG, CPT_AGG)], dstv)
    plsc.subcore_barrier()

    def body(j, carry):
        pltpu.sync_copy(g.at[srcv.at[j]], rows0)
        pltpu.sync_copy(rows0, acc.at[dstv.at[j]], add=True)
        return carry

    lax.fori_loop(0, CPT_AGG, body, 0)
    plsc.subcore_barrier()
    pltpu.sync_copy(acc.at[pl.ds(rbase, RPT)], s_out.at[c, pl.ds(rbase, RPT)])


_agg_call = pl.kernel(
    _agg_body,
    out_type=jax.ShapeDtypeStruct((NC, NPAD, HD), jnp.float32),
    mesh=_mesh,
    scratch_types=[
        pltpu.VMEM((CPT_AGG, K), jnp.int32),
        pltpu.VMEM((CPT_AGG, K), jnp.int32),
        pltpu.VMEM((K, HD), jnp.float32),
        pltpu.VMEM_SHARED((NPAD, HD), jnp.float32),
    ],
)


R = 5120
RO = 5000


def _dis_block(deg_ref, r):
    sl = pl.ds(r * R, R)
    return lax.rsqrt(deg_ref[0, sl] + deg_ref[1, sl] + 1.0)


def _mm1_body(deg_ref, x_ref, w_ref, g_ref, dis_ref):
    di = _dis_block(deg_ref, pl.program_id(0))
    dis_ref[...] = di[:, None]
    h = jnp.dot(x_ref[...], w_ref[...], preferred_element_type=jnp.float32)
    h = h * di[:, None]
    g_ref[0] = h[:, :HD]
    g_ref[1] = h[:, HD:]


_mm1_call = pl.pallas_call(
    _mm1_body,
    grid=(NPAD // R,),
    in_specs=[
        pl.BlockSpec((NC, NPAD), lambda r: (0, 0)),
        pl.BlockSpec((R, D), lambda r: (r, 0)),
        pl.BlockSpec((D, D), lambda r: (0, 0)),
    ],
    out_specs=[
        pl.BlockSpec((NC, R, HD), lambda r: (0, r, 0)),
        pl.BlockSpec((R, 1), lambda r: (r, 0)),
    ],
    out_shape=[
        jax.ShapeDtypeStruct((NC, NPAD, HD), jnp.float32),
        jax.ShapeDtypeStruct((NPAD, 1), jnp.float32),
    ],
)


def _mm2_body(dis_ref, s_ref, b_ref, w_ref, g_ref):
    di = dis_ref[...]
    scat = jnp.concatenate([s_ref[0], s_ref[1]], axis=1)
    h1 = jnp.maximum(scat * di + b_ref[...], 0.0)
    g = jnp.dot(h1, w_ref[...], preferred_element_type=jnp.float32) * di
    g_ref[0] = g[:, :HD]
    g_ref[1] = g[:, HD:]


_mm2_call = pl.pallas_call(
    _mm2_body,
    grid=(NPAD // R,),
    in_specs=[
        pl.BlockSpec((R, 1), lambda r: (r, 0)),
        pl.BlockSpec((NC, R, HD), lambda r: (0, r, 0)),
        pl.BlockSpec((1, D), lambda r: (0, 0)),
        pl.BlockSpec((D, D), lambda r: (0, 0)),
    ],
    out_specs=pl.BlockSpec((NC, R, HD), lambda r: (0, r, 0)),
    out_shape=jax.ShapeDtypeStruct((NC, NPAD, HD), jnp.float32),
)


def _out_body(dis_ref, s_ref, b_ref, o_ref):
    scat = jnp.concatenate([s_ref[0], s_ref[1]], axis=1)
    o_ref[...] = scat * dis_ref[...] + b_ref[...]


_out_call = pl.pallas_call(
    _out_body,
    grid=(N // RO,),
    in_specs=[
        pl.BlockSpec((RO, 1), lambda r: (r, 0)),
        pl.BlockSpec((NC, RO, HD), lambda r: (0, r, 0)),
        pl.BlockSpec((1, D), lambda r: (0, 0)),
    ],
    out_specs=pl.BlockSpec((RO, D), lambda r: (r, 0)),
    out_shape=jax.ShapeDtypeStruct((N, D), jnp.float32),
)


def kernel(x, edge_index, W1, b1, W2, b2):
    src = edge_index[0].reshape(NCHUNK, K)
    dst = edge_index[1].reshape(NCHUNK, K)
    zeros = jnp.zeros((NPAD,), jnp.float32)
    ones = jnp.ones((K,), jnp.float32)

    deg2 = _deg_call(dst, zeros, ones)
    g1, dis = _mm1_call(deg2, x, W1)
    s1 = _agg_call(g1, src, dst)
    g2 = _mm2_call(dis, s1, b1.reshape(1, D), W2)
    s2 = _agg_call(g2, src, dst)
    return _out_call(dis, s2, b2.reshape(1, D))

# --- scband reference (transcript-rebuilt; emitter-appended) ---
"""Pipeline reference for scband-model-27212912787862 (READ-ONLY COPY).

The authoritative reference and input builder live on the scoring server;
editing this copy changes nothing except your own understanding.
"""

import jax, jax.numpy as jnp
import numpy as np

N = 10000
E = 160000
D = 256
H = 256


def setup_inputs(seed: int = 0) -> dict:
    key = jax.random.key(seed)
    k1, k2, k3, k4, k5, k6 = jax.random.split(key, 6)
    x = jax.random.normal(k1, (N, D), dtype=jnp.float32)
    edge_index = jax.random.randint(k2, (2, E), 0, N).astype(jnp.int32)
    W1 = jax.random.normal(k3, (D, H), dtype=jnp.float32) * 0.05
    b1 = jnp.zeros((H,), dtype=jnp.float32)
    W2 = jax.random.normal(k4, (H, H), dtype=jnp.float32) * 0.05
    b2 = jnp.zeros((H,), dtype=jnp.float32)
    return {"x": x, "edge_index": edge_index, "W1": W1, "b1": b1, "W2": W2, "b2": b2}


def _gcn_conv(x, W, b, src, dst, n_nodes):
    # GCNConv-style layer: linear transform, add self-loops, symmetric norm, scatter-add aggregate
    h = x @ W
    loop = jnp.arange(n_nodes, dtype=src.dtype)
    src_sl = jnp.concatenate([src, loop])
    dst_sl = jnp.concatenate([dst, loop])
    deg = jnp.zeros((n_nodes,), dtype=h.dtype).at[dst_sl].add(1.0)
    dis = jax.lax.rsqrt(jnp.maximum(deg, 1e-12))
    norm = dis[src_sl] * dis[dst_sl]
    msg = h[src_sl] * norm[:, None]
    agg = jax.ops.segment_sum(msg, dst_sl, num_segments=n_nodes)
    return agg + b


def reference(x, edge_index, W1, b1, W2, b2):
    # Model.forward(x, edge_index) -> self.encoder(x, edge_index)
    # Encoder materialized as a standard 2-layer GCN (GRACE-style) with ReLU activation.
    src = edge_index[0]
    dst = edge_index[1]
    n_nodes = x.shape[0]
    h = jax.nn.relu(_gcn_conv(x, W1, b1, src, dst, n_nodes))
    out = _gcn_conv(h, W2, b2, src, dst, n_nodes)
    return out

if __name__ == "__main__":
    import jax
    _d = setup_inputs()
    print(jax.jit(kernel)(*tuple(_d.values())))

</pallas_src>

<mosaic_0001>
#map = affine_map<(d0, d1) -> (0, 0, 0)>
#map1 = affine_map<(d0, d1) -> (0, 0)>
module attributes {stable_mosaic.version = 14 : i64} {
  func.func @_agg_body(%arg0: i32, %arg1: i32, %arg2: memref<2x10240x128xf32, #tpu.memory_space<hbm>>, %arg3: memref<1280x125xi32, #tpu.memory_space<hbm>>, %arg4: memref<1280x125xi32, #tpu.memory_space<hbm>>, %arg5: memref<2x10240x128xf32, #tpu.memory_space<hbm>>, %arg6: memref<80x125xi32, #tpu.memory_space<vmem>>, %arg7: memref<80x125xi32, #tpu.memory_space<vmem>>, %arg8: memref<125x128xf32, #tpu.memory_space<vmem>>, %arg9: memref<10240x128xf32, #tpu.memory_space<vmem_shared>>) attributes {dimension_semantics = [#tpu.dimension_semantics<core_parallel>, #tpu.dimension_semantics<subcore_parallel>], iteration_bounds = array<i64: 2, 16>, scalar_prefetch = 0 : i64, scratch_operands = 4 : i64, tpu.core_type = #tpu.core_type<sc_vector_subcore>, window_params = [{transform_indices = #map}, {transform_indices = #map1}, {transform_indices = #map1}, {transform_indices = #map}]} {
    %mul3A = arith.constant 640 : i32
    %mul3A_0 = arith.muli %arg1, %mul3A : i32
    "tpu.region"() ({
      %run_scoped3A = tpu.sem_alloc : memref<!tpu.dma_semaphore, #tpu.memory_space<semaphore_mem>>
      %dma_start3A = arith.constant 0 : i32
      %dma_start3A_11 = tpu.memref_slice %arg9[%mul3A_0, %dma_start3A] : memref<10240x128xf32, #tpu.memory_space<vmem_shared>> -> memref<640x128xf32, #tpu.memory_space<vmem_shared>>
      %dma_start3A_12 = arith.constant 0 : i32
      %dma_start3A_13 = tpu.memref_slice %arg2[%arg0, %mul3A_0, %dma_start3A_12] : memref<2x10240x128xf32, #tpu.memory_space<hbm>> -> memref<1x640x128xf32, #tpu.memory_space<hbm>>
      %dma_start3A_14 = tpu.memref_squeeze %dma_start3A_13 : memref<1x640x128xf32, #tpu.memory_space<hbm>> -> memref<640x128xf32, #tpu.memory_space<hbm>>
      tpu.enqueue_dma source(%dma_start3A_14 : memref<640x128xf32, #tpu.memory_space<hbm>>) target(%dma_start3A_11 : memref<640x128xf32, #tpu.memory_space<vmem_shared>>) target_semaphore(%run_scoped3A : memref<!tpu.dma_semaphore, #tpu.memory_space<semaphore_mem>>)
      %dma_wait3A = arith.constant 0 : i32
      %dma_wait3A_15 = tpu.memref_slice %arg9[%mul3A_0, %dma_wait3A] : memref<10240x128xf32, #tpu.memory_space<vmem_shared>> -> memref<640x128xf32, #tpu.memory_space<vmem_shared>>
      %dma_wait3A_16 = arith.constant 0 : i32
      %dma_wait3A_17 = tpu.memref_slice %arg2[%arg0, %mul3A_0, %dma_wait3A_16] : memref<2x10240x128xf32, #tpu.memory_space<hbm>> -> memref<1x640x128xf32, #tpu.memory_space<hbm>>
      %dma_wait3A_18 = tpu.memref_squeeze %dma_wait3A_17 : memref<1x640x128xf32, #tpu.memory_space<hbm>> -> memref<640x128xf32, #tpu.memory_space<hbm>>
      tpu.wait_dma2 semaphore(%run_scoped3A : memref<!tpu.dma_semaphore, #tpu.memory_space<semaphore_mem>>) src(%dma_wait3A_18 : memref<640x128xf32, #tpu.memory_space<hbm>>) dst(%dma_wait3A_15 : memref<640x128xf32, #tpu.memory_space<vmem_shared>>)
      tpu.yield
    }) : () -> ()
    %mul3A_1 = arith.constant 80 : i32
    %mul3A_2 = arith.muli %arg1, %mul3A_1 : i32
    "tpu.region"() ({
      %run_scoped3A = tpu.sem_alloc : memref<!tpu.dma_semaphore, #tpu.memory_space<semaphore_mem>>
      %dma_start3A = arith.constant 0 : i32
      %dma_start3A_11 = tpu.memref_slice %arg3[%mul3A_2, %dma_start3A] : memref<1280x125xi32, #tpu.memory_space<hbm>> -> memref<80x125xi32, #tpu.memory_space<hbm>>
      %dma_start3A_12 = arith.constant 0 : i32
      %dma_start3A_13 = tpu.memref_slice %arg3[%mul3A_2, %dma_start3A_12] : memref<1280x125xi32, #tpu.memory_space<hbm>> -> memref<80x125xi32, #tpu.memory_space<hbm>>
      tpu.enqueue_dma source(%dma_start3A_13 : memref<80x125xi32, #tpu.memory_space<hbm>>) target(%arg6 : memref<80x125xi32, #tpu.memory_space<vmem>>) target_semaphore(%run_scoped3A : memref<!tpu.dma_semaphore, #tpu.memory_space<semaphore_mem>>)
      %dma_wait3A = arith.constant 0 : i32
      %dma_wait3A_14 = tpu.memref_slice %arg3[%mul3A_2, %dma_wait3A] : memref<1280x125xi32, #tpu.memory_space<hbm>> -> memref<80x125xi32, #tpu.memory_space<hbm>>
      %dma_wait3A_15 = arith.constant 0 : i32
      %dma_wait3A_16 = tpu.memref_slice %arg3[%mul3A_2, %dma_wait3A_15] : memref<1280x125xi32, #tpu.memory_space<hbm>> -> memref<80x125xi32, #tpu.memory_space<hbm>>
      tpu.wait_dma2 semaphore(%run_scoped3A : memref<!tpu.dma_semaphore, #tpu.memory_space<semaphore_mem>>) src(%dma_wait3A_16 : memref<80x125xi32, #tpu.memory_space<hbm>>) dst(%arg6 : memref<80x125xi32, #tpu.memory_space<vmem>>)
      tpu.yield
    }) : () -> ()
    %mul3A_3 = arith.constant 80 : i32
    %mul3A_4 = arith.muli %arg1, %mul3A_3 : i32
    "tpu.region"() ({
      %run_scoped3A = tpu.sem_alloc : memref<!tpu.dma_semaphore, #tpu.memory_space<semaphore_mem>>
      %dma_start3A = arith.constant 0 : i32
      %dma_start3A_11 = tpu.memref_slice %arg4[%mul3A_4, %dma_start3A] : memref<1280x125xi32, #tpu.memory_space<hbm>> -> memref<80x125xi32, #tpu.memory_space<hbm>>
      %dma_start3A_12 = arith.constant 0 : i32
      %dma_start3A_13 = tpu.memref_slice %arg4[%mul3A_4, %dma_start3A_12] : memref<1280x125xi32, #tpu.memory_space<hbm>> -> memref<80x125xi32, #tpu.memory_space<hbm>>
      tpu.enqueue_dma source(%dma_start3A_13 : memref<80x125xi32, #tpu.memory_space<hbm>>) target(%arg7 : memref<80x125xi32, #tpu.memory_space<vmem>>) target_semaphore(%run_scoped3A : memref<!tpu.dma_semaphore, #tpu.memory_space<semaphore_mem>>)
      %dma_wait3A = arith.constant 0 : i32
      %dma_wait3A_14 = tpu.memref_slice %arg4[%mul3A_4, %dma_wait3A] : memref<1280x125xi32, #tpu.memory_space<hbm>> -> memref<80x125xi32, #tpu.memory_space<hbm>>
      %dma_wait3A_15 = arith.constant 0 : i32
      %dma_wait3A_16 = tpu.memref_slice %arg4[%mul3A_4, %dma_wait3A_15] : memref<1280x125xi32, #tpu.memory_space<hbm>> -> memref<80x125xi32, #tpu.memory_space<hbm>>
      tpu.wait_dma2 semaphore(%run_scoped3A : memref<!tpu.dma_semaphore, #tpu.memory_space<semaphore_mem>>) src(%dma_wait3A_16 : memref<80x125xi32, #tpu.memory_space<hbm>>) dst(%arg7 : memref<80x125xi32, #tpu.memory_space<vmem>>)
      tpu.yield
    }) : () -> ()
    %barrier3A = arith.constant 0 : index
    tpu.barrier barrier_id(%barrier3A)
    %scan3A = arith.constant 0 : i32
    %scan3A_5 = arith.constant 0 : i32
    %scan3A_6 = arith.constant 80 : i32
    %scan3A_7 = arith.addi %scan3A_5, %scan3A_6 : i32
    %scan3A_8 = arith.constant 1 : i32
    scf.for %scan3A_11 = %scan3A_5 to %scan3A_7 step %scan3A_8  : i32 {
      "tpu.region"() ({
        %run_scoped3A = tpu.sem_alloc : memref<!tpu.dma_semaphore, #tpu.memory_space<semaphore_mem>>
        %dma_start3A = arith.constant 0 : i32
        %dma_start3A_12 = tpu.memref_slice %arg6[%scan3A_11, %dma_start3A] : memref<80x125xi32, #tpu.memory_space<vmem>> -> memref<1x125xi32, #tpu.memory_space<vmem>>
        %dma_start3A_13 = tpu.memref_squeeze %dma_start3A_12 : memref<1x125xi32, #tpu.memory_space<vmem>> -> memref<125xi32, #tpu.memory_space<vmem>>
        %dma_start3A_14 = arith.constant 0 : i32
        %dma_start3A_15 = arith.constant 0 : i32
        %dma_start3A_16 = tpu.memref_slice %arg2[%arg0, %dma_start3A_14, %dma_start3A_15] : memref<2x10240x128xf32, #tpu.memory_space<hbm>> -> memref<1x10240x128xf32, #tpu.memory_space<hbm>>
        %dma_start3A_17 = tpu.memref_squeeze %dma_start3A_16 : memref<1x10240x128xf32, #tpu.memory_space<hbm>> -> memref<10240x128xf32, #tpu.memory_space<hbm>>
        %dma_start3A_18 = arith.constant 0 : i32
        %dma_start3A_19 = arith.constant 0 : i32
        %dma_start3A_20 = tpu.memref_slice %dma_start3A_17[%dma_start3A_18, %dma_start3A_19] : memref<10240x128xf32, #tpu.memory_space<hbm>> -> memref<10240x128xf32, #tpu.memory_space<hbm>>
        tpu.enqueue_indirect_dma source(%dma_start3A_20 : memref<10240x128xf32, #tpu.memory_space<hbm>>) target(%arg8 : memref<125x128xf32, #tpu.memory_space<vmem>>) offsets(%dma_start3A_13 : memref<125xi32, #tpu.memory_space<vmem>>) semaphore(%run_scoped3A : memref<!tpu.dma_semaphore, #tpu.memory_space<semaphore_mem>>)
        %dma_wait3A = arith.constant 0 : i32
        %dma_wait3A_21 = tpu.memref_slice %arg6[%scan3A_11, %dma_wait3A] : memref<80x125xi32, #tpu.memory_space<vmem>> -> memref<1x125xi32, #tpu.memory_space<vmem>>
        %dma_wait3A_22 = tpu.memref_squeeze %dma_wait3A_21 : memref<1x125xi32, #tpu.memory_space<vmem>> -> memref<125xi32, #tpu.memory_space<vmem>>
        %dma_wait3A_23 = arith.constant 0 : i32
        %dma_wait3A_24 = arith.constant 0 : i32
        %dma_wait3A_25 = tpu.memref_slice %arg2[%arg0, %dma_wait3A_23, %dma_wait3A_24] : memref<2x10240x128xf32, #tpu.memory_space<hbm>> -> memref<1x10240x128xf32, #tpu.memory_space<hbm>>
        %dma_wait3A_26 = tpu.memref_squeeze %dma_wait3A_25 : memref<1x10240x128xf32, #tpu.memory_space<hbm>> -> memref<10240x128xf32, #tpu.memory_space<hbm>>
        %dma_wait3A_27 = arith.constant 0 : i32
        %dma_wait3A_28 = arith.constant 0 : i32
        %dma_wait3A_29 = tpu.memref_slice %dma_wait3A_26[%dma_wait3A_27, %dma_wait3A_28] : memref<10240x128xf32, #tpu.memory_space<hbm>> -> memref<10240x128xf32, #tpu.memory_space<hbm>>
        tpu.wait_indirect_dma semaphore(%run_scoped3A : memref<!tpu.dma_semaphore, #tpu.memory_space<semaphore_mem>>) src(%dma_wait3A_29 : memref<10240x128xf32, #tpu.memory_space<hbm>>) dst(%arg8 : memref<125x128xf32, #tpu.memory_space<vmem>>)
        tpu.yield
      }) : () -> ()
      "tpu.region"() ({
        %run_scoped3A = tpu.sem_alloc : memref<!tpu.dma_semaphore, #tpu.memory_space<semaphore_mem>>
        %dma_start3A = arith.constant 0 : i32
        %dma_start3A_12 = tpu.memref_slice %arg7[%scan3A_11, %dma_start3A] : memref<80x125xi32, #tpu.memory_space<vmem>> -> memref<1x125xi32, #tpu.memory_space<vmem>>
        %dma_start3A_13 = tpu.memref_squeeze %dma_start3A_12 : memref<1x125xi32, #tpu.memory_space<vmem>> -> memref<125xi32, #tpu.memory_space<vmem>>
        %dma_start3A_14 = arith.constant 0 : i32
        %dma_start3A_15 = arith.constant 0 : i32
        %dma_start3A_16 = tpu.memref_slice %arg9[%dma_start3A_14, %dma_start3A_15] : memref<10240x128xf32, #tpu.memory_space<vmem_shared>> -> memref<10240x128xf32, #tpu.memory_space<vmem_shared>>
        tpu.enqueue_indirect_dma source(%arg8 : memref<125x128xf32, #tpu.memory_space<vmem>>) target(%dma_start3A_16 : memref<10240x128xf32, #tpu.memory_space<vmem_shared>>) offsets(%dma_start3A_13 : memref<125xi32, #tpu.memory_space<vmem>>) semaphore(%run_scoped3A : memref<!tpu.dma_semaphore, #tpu.memory_space<semaphore_mem>>) {add = true}
        %dma_wait3A = arith.constant 0 : i32
        %dma_wait3A_17 = tpu.memref_slice %arg7[%scan3A_11, %dma_wait3A] : memref<80x125xi32, #tpu.memory_space<vmem>> -> memref<1x125xi32, #tpu.memory_space<vmem>>
        %dma_wait3A_18 = tpu.memref_squeeze %dma_wait3A_17 : memref<1x125xi32, #tpu.memory_space<vmem>> -> memref<125xi32, #tpu.memory_space<vmem>>
        %dma_wait3A_19 = arith.constant 0 : i32
        %dma_wait3A_20 = arith.constant 0 : i32
        %dma_wait3A_21 = tpu.memref_slice %arg9[%dma_wait3A_19, %dma_wait3A_20] : memref<10240x128xf32, #tpu.memory_space<vmem_shared>> -> memref<10240x128xf32, #tpu.memory_space<vmem_shared>>
        tpu.wait_indirect_dma semaphore(%run_scoped3A : memref<!tpu.dma_semaphore, #tpu.memory_space<semaphore_mem>>) src(%arg8 : memref<125x128xf32, #tpu.memory_space<vmem>>) dst(%dma_wait3A_21 : memref<10240x128xf32, #tpu.memory_space<vmem_shared>>)
        tpu.yield
      }) : () -> ()
    }
    %scan3A_9 = arith.constant 80 : i32
    %barrier3A_10 = arith.constant 0 : index
    tpu.barrier barrier_id(%barrier3A_10)
    "tpu.region"() ({
      %run_scoped3A = tpu.sem_alloc : memref<!tpu.dma_semaphore, #tpu.memory_space<semaphore_mem>>
      %dma_start3A = arith.constant 0 : i32
      %dma_start3A_11 = tpu.memref_slice %arg5[%arg0, %mul3A_0, %dma_start3A] : memref<2x10240x128xf32, #tpu.memory_space<hbm>> -> memref<1x640x128xf32, #tpu.memory_space<hbm>>
      %dma_start3A_12 = tpu.memref_squeeze %dma_start3A_11 : memref<1x640x128xf32, #tpu.memory_space<hbm>> -> memref<640x128xf32, #tpu.memory_space<hbm>>
      %dma_start3A_13 = arith.constant 0 : i32
      %dma_start3A_14 = tpu.memref_slice %arg9[%mul3A_0, %dma_start3A_13] : memref<10240x128xf32, #tpu.memory_space<vmem_shared>> -> memref<640x128xf32, #tpu.memory_space<vmem_shared>>
      tpu.enqueue_dma source(%dma_start3A_14 : memref<640x128xf32, #tpu.memory_space<vmem_shared>>) target(%dma_start3A_12 : memref<640x128xf32, #tpu.memory_space<hbm>>) target_semaphore(%run_scoped3A : memref<!tpu.dma_semaphore, #tpu.memory_space<semaphore_mem>>)
      %dma_wait3A = arith.constant 0 : i32
      %dma_wait3A_15 = tpu.memref_slice %arg5[%arg0, %mul3A_0, %dma_wait3A] : memref<2x10240x128xf32, #tpu.memory_space<hbm>> -> memref<1x640x128xf32, #tpu.memory_space<hbm>>
      %dma_wait3A_16 = tpu.memref_squeeze %dma_wait3A_15 : memref<1x640x128xf32, #tpu.memory_space<hbm>> -> memref<640x128xf32, #tpu.memory_space<hbm>>
      %dma_wait3A_17 = arith.constant 0 : i32
      %dma_wait3A_18 = tpu.memref_slice %arg9[%mul3A_0, %dma_wait3A_17] : memref<10240x128xf32, #tpu.memory_space<vmem_shared>> -> memref<640x128xf32, #tpu.memory_space<vmem_shared>>
      tpu.wait_dma2 semaphore(%run_scoped3A : memref<!tpu.dma_semaphore, #tpu.memory_space<semaphore_mem>>) src(%dma_wait3A_18 : memref<640x128xf32, #tpu.memory_space<vmem_shared>>) dst(%dma_wait3A_16 : memref<640x128xf32, #tpu.memory_space<hbm>>)
      tpu.yield
    }) : () -> ()
    return
  }
}

#map = affine_map<(d0, d1) -> (0, 0)>
#map1 = affine_map<(d0, d1) -> (0)>
module attributes {stable_mosaic.version = 14 : i64} {
  func.func @_deg_body(%arg0: i32, %arg1: i32, %arg2: memref<1280x125xi32, #tpu.memory_space<hbm>>, %arg3: memref<10240xf32, #tpu.memory_space<hbm>>, %arg4: memref<125xf32, #tpu.memory_space<hbm>>, %arg5: memref<2x10240xf32, #tpu.memory_space<hbm>>, %arg6: memref<40x125xi32, #tpu.memory_space<vmem>>, %arg7: memref<125xf32, #tpu.memory_space<vmem>>, %arg8: memref<10240xf32, #tpu.memory_space<vmem_shared>>) attributes {dimension_semantics = [#tpu.dimension_semantics<core_parallel>, #tpu.dimension_semantics<subcore_parallel>], iteration_bounds = array<i64: 2, 16>, scalar_prefetch = 0 : i64, scratch_operands = 3 : i64, tpu.core_type = #tpu.core_type<sc_vector_subcore>, window_params = [{transform_indices = #map}, {transform_indices = #map1}, {transform_indices = #map1}, {transform_indices = #map}]} {
    %mul3A = arith.constant 16 : i32
    %mul3A_0 = arith.muli %arg0, %mul3A : i32
    %add3A = arith.addi %mul3A_0, %arg1 : i32
    %mul3A_1 = arith.constant 640 : i32
    %mul3A_2 = arith.muli %arg1, %mul3A_1 : i32
    %mul3A_3 = arith.constant 640 : i32
    %mul3A_4 = arith.muli %arg1, %mul3A_3 : i32
    "tpu.region"() ({
      %run_scoped3A = tpu.sem_alloc : memref<!tpu.dma_semaphore, #tpu.memory_space<semaphore_mem>>
      %dma_start3A = tpu.memref_slice %arg8[%mul3A_4] : memref<10240xf32, #tpu.memory_space<vmem_shared>> -> memref<640xf32, #tpu.memory_space<vmem_shared>>
      %dma_start3A_17 = tpu.memref_slice %arg3[%mul3A_2] : memref<10240xf32, #tpu.memory_space<hbm>> -> memref<640xf32, #tpu.memory_space<hbm>>
      tpu.enqueue_dma source(%dma_start3A_17 : memref<640xf32, #tpu.memory_space<hbm>>) target(%dma_start3A : memref<640xf32, #tpu.memory_space<vmem_shared>>) target_semaphore(%run_scoped3A : memref<!tpu.dma_semaphore, #tpu.memory_space<semaphore_mem>>)
      %dma_wait3A = tpu.memref_slice %arg8[%mul3A_4] : memref<10240xf32, #tpu.memory_space<vmem_shared>> -> memref<640xf32, #tpu.memory_space<vmem_shared>>
      %dma_wait3A_18 = tpu.memref_slice %arg3[%mul3A_2] : memref<10240xf32, #tpu.memory_space<hbm>> -> memref<640xf32, #tpu.memory_space<hbm>>
      tpu.wait_dma2 semaphore(%run_scoped3A : memref<!tpu.dma_semaphore, #tpu.memory_space<semaphore_mem>>) src(%dma_wait3A_18 : memref<640xf32, #tpu.memory_space<hbm>>) dst(%dma_wait3A : memref<640xf32, #tpu.memory_space<vmem_shared>>)
      tpu.yield
    }) : () -> ()
    "tpu.region"() ({
      %run_scoped3A = tpu.sem_alloc : memref<!tpu.dma_semaphore, #tpu.memory_space<semaphore_mem>>
      tpu.enqueue_dma source(%arg4 : memref<125xf32, #tpu.memory_space<hbm>>) target(%arg7 : memref<125xf32, #tpu.memory_space<vmem>>) target_semaphore(%run_scoped3A : memref<!tpu.dma_semaphore, #tpu.memory_space<semaphore_mem>>)
      tpu.wait_dma2 semaphore(%run_scoped3A : memref<!tpu.dma_semaphore, #tpu.memory_space<semaphore_mem>>) src(%arg4 : memref<125xf32, #tpu.memory_space<hbm>>) dst(%arg7 : memref<125xf32, #tpu.memory_space<vmem>>)
      tpu.yield
    }) : () -> ()
    %mul3A_5 = arith.constant 40 : i32
    %mul3A_6 = arith.muli %add3A, %mul3A_5 : i32
    "tpu.region"() ({
      %run_scoped3A = tpu.sem_alloc : memref<!tpu.dma_semaphore, #tpu.memory_space<semaphore_mem>>
      %dma_start3A = arith.constant 0 : i32
      %dma_start3A_17 = tpu.memref_slice %arg2[%mul3A_6, %dma_start3A] : memref<1280x125xi32, #tpu.memory_space<hbm>> -> memref<40x125xi32, #tpu.memory_space<hbm>>
      %dma_start3A_18 = arith.constant 0 : i32
      %dma_start3A_19 = tpu.memref_slice %arg2[%mul3A_6, %dma_start3A_18] : memref<1280x125xi32, #tpu.memory_space<hbm>> -> memref<40x125xi32, #tpu.memory_space<hbm>>
      tpu.enqueue_dma source(%dma_start3A_19 : memref<40x125xi32, #tpu.memory_space<hbm>>) target(%arg6 : memref<40x125xi32, #tpu.memory_space<vmem>>) target_semaphore(%run_scoped3A : memref<!tpu.dma_semaphore, #tpu.memory_space<semaphore_mem>>)
      %dma_wait3A = arith.constant 0 : i32
      %dma_wait3A_20 = tpu.memref_slice %arg2[%mul3A_6, %dma_wait3A] : memref<1280x125xi32, #tpu.memory_space<hbm>> -> memref<40x125xi32, #tpu.memory_space<hbm>>
      %dma_wait3A_21 = arith.constant 0 : i32
      %dma_wait3A_22 = tpu.memref_slice %arg2[%mul3A_6, %dma_wait3A_21] : memref<1280x125xi32, #tpu.memory_space<hbm>> -> memref<40x125xi32, #tpu.memory_space<hbm>>
      tpu.wait_dma2 semaphore(%run_scoped3A : memref<!tpu.dma_semaphore, #tpu.memory_space<semaphore_mem>>) src(%dma_wait3A_22 : memref<40x125xi32, #tpu.memory_space<hbm>>) dst(%arg6 : memref<40x125xi32, #tpu.memory_space<vmem>>)
      tpu.yield
    }) : () -> ()
    %barrier3A = arith.constant 0 : index
    tpu.barrier barrier_id(%barrier3A)
    %scan3A = arith.constant 0 : i32
    %scan3A_7 = arith.constant 0 : i32
    %scan3A_8 = arith.constant 40 : i32
    %scan3A_9 = arith.addi %scan3A_7, %scan3A_8 : i32
    %scan3A_10 = arith.constant 1 : i32
    scf.for %scan3A_17 = %scan3A_7 to %scan3A_9 step %scan3A_10  : i32 {
      "tpu.region"() ({
        %run_scoped3A = tpu.sem_alloc : memref<!tpu.dma_semaphore, #tpu.memory_space<semaphore_mem>>
        %dma_start3A = arith.constant 0 : i32
        %dma_start3A_18 = tpu.memref_slice %arg6[%scan3A_17, %dma_start3A] : memref<40x125xi32, #tpu.memory_space<vmem>> -> memref<1x125xi32, #tpu.memory_space<vmem>>
        %dma_start3A_19 = tpu.memref_squeeze %dma_start3A_18 : memref<1x125xi32, #tpu.memory_space<vmem>> -> memref<125xi32, #tpu.memory_space<vmem>>
        %dma_start3A_20 = arith.constant 0 : i32
        %dma_start3A_21 = tpu.memref_slice %arg8[%dma_start3A_20] : memref<10240xf32, #tpu.memory_space<vmem_shared>> -> memref<10240xf32, #tpu.memory_space<vmem_shared>>
        tpu.enqueue_indirect_dma source(%arg7 : memref<125xf32, #tpu.memory_space<vmem>>) target(%dma_start3A_21 : memref<10240xf32, #tpu.memory_space<vmem_shared>>) offsets(%dma_start3A_19 : memref<125xi32, #tpu.memory_space<vmem>>) semaphore(%run_scoped3A : memref<!tpu.dma_semaphore, #tpu.memory_space<semaphore_mem>>) {add = true}
        %dma_wait3A = arith.constant 0 : i32
        %dma_wait3A_22 = tpu.memref_slice %arg6[%scan3A_17, %dma_wait3A] : memref<40x125xi32, #tpu.memory_space<vmem>> -> memref<1x125xi32, #tpu.memory_space<vmem>>
        %dma_wait3A_23 = tpu.memref_squeeze %dma_wait3A_22 : memref<1x125xi32, #tpu.memory_space<vmem>> -> memref<125xi32, #tpu.memory_space<vmem>>
        %dma_wait3A_24 = arith.constant 0 : i32
        %dma_wait3A_25 = tpu.memref_slice %arg8[%dma_wait3A_24] : memref<10240xf32, #tpu.memory_space<vmem_shared>> -> memref<10240xf32, #tpu.memory_space<vmem_shared>>
        tpu.wait_indirect_dma semaphore(%run_scoped3A : memref<!tpu.dma_semaphore, #tpu.memory_space<semaphore_mem>>) src(%arg7 : memref<125xf32, #tpu.memory_space<vmem>>) dst(%dma_wait3A_25 : memref<10240xf32, #tpu.memory_space<vmem_shared>>)
        tpu.yield
      }) : () -> ()
    }
    %scan3A_11 = arith.constant 40 : i32
    %barrier3A_12 = arith.constant 0 : index
    tpu.barrier barrier_id(%barrier3A_12)
    %mul3A_13 = arith.constant 640 : i32
    %mul3A_14 = arith.muli %arg1, %mul3A_13 : i32
    %mul3A_15 = arith.constant 640 : i32
    %mul3A_16 = arith.muli %arg1, %mul3A_15 : i32
    "tpu.region"() ({
      %run_scoped3A = tpu.sem_alloc : memref<!tpu.dma_semaphore, #tpu.memory_space<semaphore_mem>>
      %dma_start3A = tpu.memref_slice %arg5[%arg0, %mul3A_16] : memref<2x10240xf32, #tpu.memory_space<hbm>> -> memref<1x640xf32, #tpu.memory_space<hbm>>
      %dma_start3A_17 = tpu.memref_squeeze %dma_start3A : memref<1x640xf32, #tpu.memory_space<hbm>> -> memref<640xf32, #tpu.memory_space<hbm>>
      %dma_start3A_18 = tpu.memref_slice %arg8[%mul3A_14] : memref<10240xf32, #tpu.memory_space<vmem_shared>> -> memref<640xf32, #tpu.memory_space<vmem_shared>>
      tpu.enqueue_dma source(%dma_start3A_18 : memref<640xf32, #tpu.memory_space<vmem_shared>>) target(%dma_start3A_17 : memref<640xf32, #tpu.memory_space<hbm>>) target_semaphore(%run_scoped3A : memref<!tpu.dma_semaphore, #tpu.memory_space<semaphore_mem>>)
      %dma_wait3A = tpu.memref_slice %arg5[%arg0, %mul3A_16] : memref<2x10240xf32, #tpu.memory_space<hbm>> -> memref<1x640xf32, #tpu.memory_space<hbm>>
      %dma_wait3A_19 = tpu.memref_squeeze %dma_wait3A : memref<1x640xf32, #tpu.memory_space<hbm>> -> memref<640xf32, #tpu.memory_space<hbm>>
      %dma_wait3A_20 = tpu.memref_slice %arg8[%mul3A_14] : memref<10240xf32, #tpu.memory_space<vmem_shared>> -> memref<640xf32, #tpu.memory_space<vmem_shared>>
      tpu.wait_dma2 semaphore(%run_scoped3A : memref<!tpu.dma_semaphore, #tpu.memory_space<semaphore_mem>>) src(%dma_wait3A_20 : memref<640xf32, #tpu.memory_space<vmem_shared>>) dst(%dma_wait3A_19 : memref<640xf32, #tpu.memory_space<hbm>>)
      tpu.yield
    }) : () -> ()
    return
  }
}

#map = affine_map<(d0, d1) -> (0, 0, 0)>
#map1 = affine_map<(d0, d1) -> (0, 0)>
module attributes {stable_mosaic.version = 14 : i64} {
  func.func @_agg_body(%arg0: i32, %arg1: i32, %arg2: memref<2x10240x128xf32, #tpu.memory_space<hbm>>, %arg3: memref<1280x125xi32, #tpu.memory_space<hbm>>, %arg4: memref<1280x125xi32, #tpu.memory_space<hbm>>, %arg5: memref<2x10240x128xf32, #tpu.memory_space<hbm>>, %arg6: memref<80x125xi32, #tpu.memory_space<vmem>>, %arg7: memref<80x125xi32, #tpu.memory_space<vmem>>, %arg8: memref<125x128xf32, #tpu.memory_space<vmem>>, %arg9: memref<10240x128xf32, #tpu.memory_space<vmem_shared>>) attributes {dimension_semantics = [#tpu.dimension_semantics<core_parallel>, #tpu.dimension_semantics<subcore_parallel>], iteration_bounds = array<i64: 2, 16>, scalar_prefetch = 0 : i64, scratch_operands = 4 : i64, tpu.core_type = #tpu.core_type<sc_vector_subcore>, window_params = [{transform_indices = #map}, {transform_indices = #map1}, {transform_indices = #map1}, {transform_indices = #map}]} {
    %mul3A = arith.constant 640 : i32
    %mul3A_0 = arith.muli %arg1, %mul3A : i32
    "tpu.region"() ({
      %run_scoped3A = tpu.sem_alloc : memref<!tpu.dma_semaphore, #tpu.memory_space<semaphore_mem>>
      %dma_start3A = arith.constant 0 : i32
      %dma_start3A_11 = tpu.memref_slice %arg9[%mul3A_0, %dma_start3A] : memref<10240x128xf32, #tpu.memory_space<vmem_shared>> -> memref<640x128xf32, #tpu.memory_space<vmem_shared>>
      %dma_start3A_12 = arith.constant 0 : i32
      %dma_start3A_13 = tpu.memref_slice %arg2[%arg0, %mul3A_0, %dma_start3A_12] : memref<2x10240x128xf32, #tpu.memory_space<hbm>> -> memref<1x640x128xf32, #tpu.memory_space<hbm>>
      %dma_start3A_14 = tpu.memref_squeeze %dma_start3A_13 : memref<1x640x128xf32, #tpu.memory_space<hbm>> -> memref<640x128xf32, #tpu.memory_space<hbm>>
      tpu.enqueue_dma source(%dma_start3A_14 : memref<640x128xf32, #tpu.memory_space<hbm>>) target(%dma_start3A_11 : memref<640x128xf32, #tpu.memory_space<vmem_shared>>) target_semaphore(%run_scoped3A : memref<!tpu.dma_semaphore, #tpu.memory_space<semaphore_mem>>)
      %dma_wait3A = arith.constant 0 : i32
      %dma_wait3A_15 = tpu.memref_slice %arg9[%mul3A_0, %dma_wait3A] : memref<10240x128xf32, #tpu.memory_space<vmem_shared>> -> memref<640x128xf32, #tpu.memory_space<vmem_shared>>
      %dma_wait3A_16 = arith.constant 0 : i32
      %dma_wait3A_17 = tpu.memref_slice %arg2[%arg0, %mul3A_0, %dma_wait3A_16] : memref<2x10240x128xf32, #tpu.memory_space<hbm>> -> memref<1x640x128xf32, #tpu.memory_space<hbm>>
      %dma_wait3A_18 = tpu.memref_squeeze %dma_wait3A_17 : memref<1x640x128xf32, #tpu.memory_space<hbm>> -> memref<640x128xf32, #tpu.memory_space<hbm>>
      tpu.wait_dma2 semaphore(%run_scoped3A : memref<!tpu.dma_semaphore, #tpu.memory_space<semaphore_mem>>) src(%dma_wait3A_18 : memref<640x128xf32, #tpu.memory_space<hbm>>) dst(%dma_wait3A_15 : memref<640x128xf32, #tpu.memory_space<vmem_shared>>)
      tpu.yield
    }) : () -> ()
    %mul3A_1 = arith.constant 80 : i32
    %mul3A_2 = arith.muli %arg1, %mul3A_1 : i32
    "tpu.region"() ({
      %run_scoped3A = tpu.sem_alloc : memref<!tpu.dma_semaphore, #tpu.memory_space<semaphore_mem>>
      %dma_start3A = arith.constant 0 : i32
      %dma_start3A_11 = tpu.memref_slice %arg3[%mul3A_2, %dma_start3A] : memref<1280x125xi32, #tpu.memory_space<hbm>> -> memref<80x125xi32, #tpu.memory_space<hbm>>
      %dma_start3A_12 = arith.constant 0 : i32
      %dma_start3A_13 = tpu.memref_slice %arg3[%mul3A_2, %dma_start3A_12] : memref<1280x125xi32, #tpu.memory_space<hbm>> -> memref<80x125xi32, #tpu.memory_space<hbm>>
      tpu.enqueue_dma source(%dma_start3A_13 : memref<80x125xi32, #tpu.memory_space<hbm>>) target(%arg6 : memref<80x125xi32, #tpu.memory_space<vmem>>) target_semaphore(%run_scoped3A : memref<!tpu.dma_semaphore, #tpu.memory_space<semaphore_mem>>)
      %dma_wait3A = arith.constant 0 : i32
      %dma_wait3A_14 = tpu.memref_slice %arg3[%mul3A_2, %dma_wait3A] : memref<1280x125xi32, #tpu.memory_space<hbm>> -> memref<80x125xi32, #tpu.memory_space<hbm>>
      %dma_wait3A_15 = arith.constant 0 : i32
      %dma_wait3A_16 = tpu.memref_slice %arg3[%mul3A_2, %dma_wait3A_15] : memref<1280x125xi32, #tpu.memory_space<hbm>> -> memref<80x125xi32, #tpu.memory_space<hbm>>
      tpu.wait_dma2 semaphore(%run_scoped3A : memref<!tpu.dma_semaphore, #tpu.memory_space<semaphore_mem>>) src(%dma_wait3A_16 : memref<80x125xi32, #tpu.memory_space<hbm>>) dst(%arg6 : memref<80x125xi32, #tpu.memory_space<vmem>>)
      tpu.yield
    }) : () -> ()
    %mul3A_3 = arith.constant 80 : i32
    %mul3A_4 = arith.muli %arg1, %mul3A_3 : i32
    "tpu.region"() ({
      %run_scoped3A = tpu.sem_alloc : memref<!tpu.dma_semaphore, #tpu.memory_space<semaphore_mem>>
      %dma_start3A = arith.constant 0 : i32
      %dma_start3A_11 = tpu.memref_slice %arg4[%mul3A_4, %dma_start3A] : memref<1280x125xi32, #tpu.memory_space<hbm>> -> memref<80x125xi32, #tpu.memory_space<hbm>>
      %dma_start3A_12 = arith.constant 0 : i32
      %dma_start3A_13 = tpu.memref_slice %arg4[%mul3A_4, %dma_start3A_12] : memref<1280x125xi32, #tpu.memory_space<hbm>> -> memref<80x125xi32, #tpu.memory_space<hbm>>
      tpu.enqueue_dma source(%dma_start3A_13 : memref<80x125xi32, #tpu.memory_space<hbm>>) target(%arg7 : memref<80x125xi32, #tpu.memory_space<vmem>>) target_semaphore(%run_scoped3A : memref<!tpu.dma_semaphore, #tpu.memory_space<semaphore_mem>>)
      %dma_wait3A = arith.constant 0 : i32
      %dma_wait3A_14 = tpu.memref_slice %arg4[%mul3A_4, %dma_wait3A] : memref<1280x125xi32, #tpu.memory_space<hbm>> -> memref<80x125xi32, #tpu.memory_space<hbm>>
      %dma_wait3A_15 = arith.constant 0 : i32
      %dma_wait3A_16 = tpu.memref_slice %arg4[%mul3A_4, %dma_wait3A_15] : memref<1280x125xi32, #tpu.memory_space<hbm>> -> memref<80x125xi32, #tpu.memory_space<hbm>>
      tpu.wait_dma2 semaphore(%run_scoped3A : memref<!tpu.dma_semaphore, #tpu.memory_space<semaphore_mem>>) src(%dma_wait3A_16 : memref<80x125xi32, #tpu.memory_space<hbm>>) dst(%arg7 : memref<80x125xi32, #tpu.memory_space<vmem>>)
      tpu.yield
    }) : () -> ()
    %barrier3A = arith.constant 0 : index
    tpu.barrier barrier_id(%barrier3A)
    %scan3A = arith.constant 0 : i32
    %scan3A_5 = arith.constant 0 : i32
    %scan3A_6 = arith.constant 80 : i32
    %scan3A_7 = arith.addi %scan3A_5, %scan3A_6 : i32
    %scan3A_8 = arith.constant 1 : i32
    scf.for %scan3A_11 = %scan3A_5 to %scan3A_7 step %scan3A_8  : i32 {
      "tpu.region"() ({
        %run_scoped3A = tpu.sem_alloc : memref<!tpu.dma_semaphore, #tpu.memory_space<semaphore_mem>>
        %dma_start3A = arith.constant 0 : i32
        %dma_start3A_12 = tpu.memref_slice %arg6[%scan3A_11, %dma_start3A] : memref<80x125xi32, #tpu.memory_space<vmem>> -> memref<1x125xi32, #tpu.memory_space<vmem>>
        %dma_start3A_13 = tpu.memref_squeeze %dma_start3A_12 : memref<1x125xi32, #tpu.memory_space<vmem>> -> memref<125xi32, #tpu.memory_space<vmem>>
        %dma_start3A_14 = arith.constant 0 : i32
        %dma_start3A_15 = arith.constant 0 : i32
        %dma_start3A_16 = tpu.memref_slice %arg2[%arg0, %dma_start3A_14, %dma_start3A_15] : memref<2x10240x128xf32, #tpu.memory_space<hbm>> -> memref<1x10240x128xf32, #tpu.memory_space<hbm>>
        %dma_start3A_17 = tpu.memref_squeeze %dma_start3A_16 : memref<1x10240x128xf32, #tpu.memory_space<hbm>> -> memref<10240x128xf32, #tpu.memory_space<hbm>>
        %dma_start3A_18 = arith.constant 0 : i32
        %dma_start3A_19 = arith.constant 0 : i32
        %dma_start3A_20 = tpu.memref_slice %dma_start3A_17[%dma_start3A_18, %dma_start3A_19] : memref<10240x128xf32, #tpu.memory_space<hbm>> -> memref<10240x128xf32, #tpu.memory_space<hbm>>
        tpu.enqueue_indirect_dma source(%dma_start3A_20 : memref<10240x128xf32, #tpu.memory_space<hbm>>) target(%arg8 : memref<125x128xf32, #tpu.memory_space<vmem>>) offsets(%dma_start3A_13 : memref<125xi32, #tpu.memory_space<vmem>>) semaphore(%run_scoped3A : memref<!tpu.dma_semaphore, #tpu.memory_space<semaphore_mem>>)
        %dma_wait3A = arith.constant 0 : i32
        %dma_wait3A_21 = tpu.memref_slice %arg6[%scan3A_11, %dma_wait3A] : memref<80x125xi32, #tpu.memory_space<vmem>> -> memref<1x125xi32, #tpu.memory_space<vmem>>
        %dma_wait3A_22 = tpu.memref_squeeze %dma_wait3A_21 : memref<1x125xi32, #tpu.memory_space<vmem>> -> memref<125xi32, #tpu.memory_space<vmem>>
        %dma_wait3A_23 = arith.constant 0 : i32
        %dma_wait3A_24 = arith.constant 0 : i32
        %dma_wait3A_25 = tpu.memref_slice %arg2[%arg0, %dma_wait3A_23, %dma_wait3A_24] : memref<2x10240x128xf32, #tpu.memory_space<hbm>> -> memref<1x10240x128xf32, #tpu.memory_space<hbm>>
        %dma_wait3A_26 = tpu.memref_squeeze %dma_wait3A_25 : memref<1x10240x128xf32, #tpu.memory_space<hbm>> -> memref<10240x128xf32, #tpu.memory_space<hbm>>
        %dma_wait3A_27 = arith.constant 0 : i32
        %dma_wait3A_28 = arith.constant 0 : i32
        %dma_wait3A_29 = tpu.memref_slice %dma_wait3A_26[%dma_wait3A_27, %dma_wait3A_28] : memref<10240x128xf32, #tpu.memory_space<hbm>> -> memref<10240x128xf32, #tpu.memory_space<hbm>>
        tpu.wait_indirect_dma semaphore(%run_scoped3A : memref<!tpu.dma_semaphore, #tpu.memory_space<semaphore_mem>>) src(%dma_wait3A_29 : memref<10240x128xf32, #tpu.memory_space<hbm>>) dst(%arg8 : memref<125x128xf32, #tpu.memory_space<vmem>>)
        tpu.yield
      }) : () -> ()
      "tpu.region"() ({
        %run_scoped3A = tpu.sem_alloc : memref<!tpu.dma_semaphore, #tpu.memory_space<semaphore_mem>>
        %dma_start3A = arith.constant 0 : i32
        %dma_start3A_12 = tpu.memref_slice %arg7[%scan3A_11, %dma_start3A] : memref<80x125xi32, #tpu.memory_space<vmem>> -> memref<1x125xi32, #tpu.memory_space<vmem>>
        %dma_start3A_13 = tpu.memref_squeeze %dma_start3A_12 : memref<1x125xi32, #tpu.memory_space<vmem>> -> memref<125xi32, #tpu.memory_space<vmem>>
        %dma_start3A_14 = arith.constant 0 : i32
        %dma_start3A_15 = arith.constant 0 : i32
        %dma_start3A_16 = tpu.memref_slice %arg9[%dma_start3A_14, %dma_start3A_15] : memref<10240x128xf32, #tpu.memory_space<vmem_shared>> -> memref<10240x128xf32, #tpu.memory_space<vmem_shared>>
        tpu.enqueue_indirect_dma source(%arg8 : memref<125x128xf32, #tpu.memory_space<vmem>>) target(%dma_start3A_16 : memref<10240x128xf32, #tpu.memory_space<vmem_shared>>) offsets(%dma_start3A_13 : memref<125xi32, #tpu.memory_space<vmem>>) semaphore(%run_scoped3A : memref<!tpu.dma_semaphore, #tpu.memory_space<semaphore_mem>>) {add = true}
        %dma_wait3A = arith.constant 0 : i32
        %dma_wait3A_17 = tpu.memref_slice %arg7[%scan3A_11, %dma_wait3A] : memref<80x125xi32, #tpu.memory_space<vmem>> -> memref<1x125xi32, #tpu.memory_space<vmem>>
        %dma_wait3A_18 = tpu.memref_squeeze %dma_wait3A_17 : memref<1x125xi32, #tpu.memory_space<vmem>> -> memref<125xi32, #tpu.memory_space<vmem>>
        %dma_wait3A_19 = arith.constant 0 : i32
        %dma_wait3A_20 = arith.constant 0 : i32
        %dma_wait3A_21 = tpu.memref_slice %arg9[%dma_wait3A_19, %dma_wait3A_20] : memref<10240x128xf32, #tpu.memory_space<vmem_shared>> -> memref<10240x128xf32, #tpu.memory_space<vmem_shared>>
        tpu.wait_indirect_dma semaphore(%run_scoped3A : memref<!tpu.dma_semaphore, #tpu.memory_space<semaphore_mem>>) src(%arg8 : memref<125x128xf32, #tpu.memory_space<vmem>>) dst(%dma_wait3A_21 : memref<10240x128xf32, #tpu.memory_space<vmem_shared>>)
        tpu.yield
      }) : () -> ()
    }
    %scan3A_9 = arith.constant 80 : i32
    %barrier3A_10 = arith.constant 0 : index
    tpu.barrier barrier_id(%barrier3A_10)
    "tpu.region"() ({
      %run_scoped3A = tpu.sem_alloc : memref<!tpu.dma_semaphore, #tpu.memory_space<semaphore_mem>>
      %dma_start3A = arith.constant 0 : i32
      %dma_start3A_11 = tpu.memref_slice %arg5[%arg0, %mul3A_0, %dma_start3A] : memref<2x10240x128xf32, #tpu.memory_space<hbm>> -> memref<1x640x128xf32, #tpu.memory_space<hbm>>
      %dma_start3A_12 = tpu.memref_squeeze %dma_start3A_11 : memref<1x640x128xf32, #tpu.memory_space<hbm>> -> memref<640x128xf32, #tpu.memory_space<hbm>>
      %dma_start3A_13 = arith.constant 0 : i32
      %dma_start3A_14 = tpu.memref_slice %arg9[%mul3A_0, %dma_start3A_13] : memref<10240x128xf32, #tpu.memory_space<vmem_shared>> -> memref<640x128xf32, #tpu.memory_space<vmem_shared>>
      tpu.enqueue_dma source(%dma_start3A_14 : memref<640x128xf32, #tpu.memory_space<vmem_shared>>) target(%dma_start3A_12 : memref<640x128xf32, #tpu.memory_space<hbm>>) target_semaphore(%run_scoped3A : memref<!tpu.dma_semaphore, #tpu.memory_space<semaphore_mem>>)
      %dma_wait3A = arith.constant 0 : i32
      %dma_wait3A_15 = tpu.memref_slice %arg5[%arg0, %mul3A_0, %dma_wait3A] : memref<2x10240x128xf32, #tpu.memory_space<hbm>> -> memref<1x640x128xf32, #tpu.memory_space<hbm>>
      %dma_wait3A_16 = tpu.memref_squeeze %dma_wait3A_15 : memref<1x640x128xf32, #tpu.memory_space<hbm>> -> memref<640x128xf32, #tpu.memory_space<hbm>>
      %dma_wait3A_17 = arith.constant 0 : i32
      %dma_wait3A_18 = tpu.memref_slice %arg9[%mul3A_0, %dma_wait3A_17] : memref<10240x128xf32, #tpu.memory_space<vmem_shared>> -> memref<640x128xf32, #tpu.memory_space<vmem_shared>>
      tpu.wait_dma2 semaphore(%run_scoped3A : memref<!tpu.dma_semaphore, #tpu.memory_space<semaphore_mem>>) src(%dma_wait3A_18 : memref<640x128xf32, #tpu.memory_space<vmem_shared>>) dst(%dma_wait3A_16 : memref<640x128xf32, #tpu.memory_space<hbm>>)
      tpu.yield
    }) : () -> ()
    return
  }
}

module attributes {stable_mosaic.version = 14 : i64} {
  func.func @_mm1_body(%arg0: i32, %arg1: memref<2x10240xf32, #tpu.memory_space<vmem>>, %arg2: memref<5120x256xf32, #tpu.memory_space<vmem>>, %arg3: memref<256x256xf32, #tpu.memory_space<vmem>>, %arg4: memref<2x5120x128xf32, #tpu.memory_space<vmem>>, %arg5: memref<5120x1xf32, #tpu.memory_space<vmem>>) attributes {dimension_semantics = [#tpu.dimension_semantics<arbitrary>], iteration_bounds = array<i64: 2>, scalar_prefetch = 0 : i64, scratch_operands = 0 : i64, tpu.core_type = #tpu.core_type<tc>, window_params = [{pipeline_mode = #tpu.pipeline_mode<synchronous>, transform_indices = @transform_0, window_bounds = array<i64: 2, 10240>}, {transform_indices = @transform_1, window_bounds = array<i64: 5120, 256>}, {pipeline_mode = #tpu.pipeline_mode<synchronous>, transform_indices = @transform_2, window_bounds = array<i64: 256, 256>}, {transform_indices = @transform_3, window_bounds = array<i64: 2, 5120, 128>}, {transform_indices = @transform_4, window_bounds = array<i64: 5120, 1>}]} {
    %mul3A = arith.constant 5120 : i32
    %mul3A_0 = arith.muli %arg0, %mul3A : i32
    %get3A = arith.constant 0 : index
    %get3A_1 = arith.index_cast %mul3A_0 : i32 to index
    %get3A_2 = vector.load %arg1[%get3A, %get3A_1] : memref<2x10240xf32, #tpu.memory_space<vmem>>, vector<1x5120xf32>
    %get3A_3 = vector.shape_cast %get3A_2 : vector<1x5120xf32> to vector<5120xf32>
    %get3A_4 = arith.constant 1 : index
    %get3A_5 = arith.index_cast %mul3A_0 : i32 to index
    %get3A_6 = vector.load %arg1[%get3A_4, %get3A_5] : memref<2x10240xf32, #tpu.memory_space<vmem>>, vector<1x5120xf32>
    %get3A_7 = vector.shape_cast %get3A_6 : vector<1x5120xf32> to vector<5120xf32>
    %add3A = arith.addf %get3A_3, %get3A_7 : vector<5120xf32>
    %add3A_8 = arith.constant 1.000000e+00 : f32
    %add3A_9 = vector.broadcast %add3A_8 : f32 to vector<5120xf32>
    %add3A_10 = arith.addf %add3A, %add3A_9 : vector<5120xf32>
    %rsqrt3A = math.rsqrt %add3A_10 : vector<5120xf32>
    %broadcast_in_dim3A = vector.shape_cast %rsqrt3A : vector<5120xf32> to vector<5120x1xf32>
    %swap3A = arith.constant 0 : index
    %swap3A_11 = arith.constant 0 : index
    %swap3A_12 = vector.load %arg5[%swap3A, %swap3A_11] : memref<5120x1xf32, #tpu.memory_space<vmem>>, vector<5120x1xf32>
    tpu.vector_store %arg5[%swap3A, %swap3A_11], %broadcast_in_dim3A {strides = array<i32>} : memref<5120x1xf32, #tpu.memory_space<vmem>>, vector<5120x1xf32>,
    %get3A_13 = arith.constant 0 : index
    %get3A_14 = arith.constant 0 : index
    %get3A_15 = vector.load %arg2[%get3A_13, %get3A_14] : memref<5120x256xf32, #tpu.memory_space<vmem>>, vector<5120x256xf32>
    %get3A_16 = arith.constant 0 : index
    %get3A_17 = arith.constant 0 : index
    %get3A_18 = vector.load %arg3[%get3A_16, %get3A_17] : memref<256x256xf32, #tpu.memory_space<vmem>>, vector<256x256xf32>
    %dot_general3A = arith.constant dense<0.000000e+00> : vector<5120x256xf32>
    %dot_general3A_19 = tpu.matmul %get3A_15, %get3A_18, %dot_general3A {dimension_numbers = #tpu.dot_dimension_numbers<[1], [0], [0], [1], [0, 0, 1, 1], [], []>, transpose_lhs_hint = false} : vector<5120x256xf32>, vector<256x256xf32>, vector<5120x256xf32> -> vector<5120x256xf32>
    %broadcast_in_dim3A_20 = vector.shape_cast %rsqrt3A : vector<5120xf32> to vector<5120x1xf32>
    %mul3A_21 = vector.broadcast %broadcast_in_dim3A_20 : vector<5120x1xf32> to vector<5120x256xf32>
    %mul3A_22 = arith.mulf %dot_general3A_19, %mul3A_21 : vector<5120x256xf32>
    %slice3A = vector.extract_strided_slice %mul3A_22 {offsets = [0, 0], sizes = [5120, 128], strides = [1, 1]} : vector<5120x256xf32> to vector<5120x128xf32>
    %swap3A_23 = arith.constant 0 : index
    %swap3A_24 = arith.constant 0 : index
    %swap3A_25 = arith.constant 0 : index
    %swap3A_26 = vector.load %arg4[%swap3A_23, %swap3A_24, %swap3A_25] : memref<2x5120x128xf32, #tpu.memory_space<vmem>>, vector<1x5120x128xf32>
    %swap3A_27 = vector.shape_cast %swap3A_26 : vector<1x5120x128xf32> to vector<5120x128xf32>
    %swap3A_28 = vector.shape_cast %slice3A : vector<5120x128xf32> to vector<1x5120x128xf32>
    tpu.vector_store %arg4[%swap3A_23, %swap3A_24, %swap3A_25], %swap3A_28 {strides = array<i32>} : memref<2x5120x128xf32, #tpu.memory_space<vmem>>, vector<1x5120x128xf32>,
    %slice3A_29 = vector.extract_strided_slice %mul3A_22 {offsets = [0, 128], sizes = [5120, 128], strides = [1, 1]} : vector<5120x256xf32> to vector<5120x128xf32>
    %swap3A_30 = arith.constant 1 : index
    %swap3A_31 = arith.constant 0 : index
    %swap3A_32 = arith.constant 0 : index
    %swap3A_33 = vector.load %arg4[%swap3A_30, %swap3A_31, %swap3A_32] : memref<2x5120x128xf32, #tpu.memory_space<vmem>>, vector<1x5120x128xf32>
    %swap3A_34 = vector.shape_cast %swap3A_33 : vector<1x5120x128xf32> to vector<5120x128xf32>
    %swap3A_35 = vector.shape_cast %slice3A_29 : vector<5120x128xf32> to vector<1x5120x128xf32>
    tpu.vector_store %arg4[%swap3A_30, %swap3A_31, %swap3A_32], %swap3A_35 {strides = array<i32>} : memref<2x5120x128xf32, #tpu.memory_space<vmem>>, vector<1x5120x128xf32>,
    return
  }
  func.func @transform_0(%arg0: i32) -> (i32, i32) {
    %c0_i32 = arith.constant 0 : i32
    %c0_i32_0 = arith.constant 0 : i32
    %c0_i32_1 = arith.constant 0 : i32
    return %c0_i32, %c0_i32_0 : i32, i32
  }
  func.func @transform_1(%arg0: i32) -> (i32, i32) {
    %c0_i32 = arith.constant 0 : i32
    %c0_i32_0 = arith.constant 0 : i32
    return %arg0, %c0_i32 : i32, i32
  }
  func.func @transform_2(%arg0: i32) -> (i32, i32) {
    %c0_i32 = arith.constant 0 : i32
    %c0_i32_0 = arith.constant 0 : i32
    %c0_i32_1 = arith.constant 0 : i32
    return %c0_i32, %c0_i32_0 : i32, i32
  }
  func.func @transform_3(%arg0: i32) -> (i32, i32, i32) {
    %c0_i32 = arith.constant 0 : i32
    %c0_i32_0 = arith.constant 0 : i32
    %c0_i32_1 = arith.constant 0 : i32
    return %c0_i32, %arg0, %c0_i32_0 : i32, i32, i32
  }
  func.func @transform_4(%arg0: i32) -> (i32, i32) {
    %c0_i32 = arith.constant 0 : i32
    %c0_i32_0 = arith.constant 0 : i32
    return %arg0, %c0_i32 : i32, i32
  }
}

module attributes {stable_mosaic.version = 14 : i64} {
  func.func @_mm2_body(%arg0: i32, %arg1: memref<5120x1xf32, #tpu.memory_space<vmem>>, %arg2: memref<2x5120x128xf32, #tpu.memory_space<vmem>>, %arg3: memref<1x256xf32, #tpu.memory_space<vmem>>, %arg4: memref<256x256xf32, #tpu.memory_space<vmem>>, %arg5: memref<2x5120x128xf32, #tpu.memory_space<vmem>>) attributes {dimension_semantics = [#tpu.dimension_semantics<arbitrary>], iteration_bounds = array<i64: 2>, scalar_prefetch = 0 : i64, scratch_operands = 0 : i64, tpu.core_type = #tpu.core_type<tc>, window_params = [{transform_indices = @transform_0, window_bounds = array<i64: 5120, 1>}, {transform_indices = @transform_1, window_bounds = array<i64: 2, 5120, 128>}, {pipeline_mode = #tpu.pipeline_mode<synchronous>, transform_indices = @transform_2, window_bounds = array<i64: 1, 256>}, {pipeline_mode = #tpu.pipeline_mode<synchronous>, transform_indices = @transform_3, window_bounds = array<i64: 256, 256>}, {transform_indices = @transform_4, window_bounds = array<i64: 2, 5120, 128>}]} {
    %get3A = arith.constant 0 : index
    %get3A_0 = arith.constant 0 : index
    %get3A_1 = vector.load %arg1[%get3A, %get3A_0] : memref<5120x1xf32, #tpu.memory_space<vmem>>, vector<5120x1xf32>
    %get3A_2 = arith.constant 0 : index
    %get3A_3 = arith.constant 0 : index
    %get3A_4 = arith.constant 0 : index
    %get3A_5 = vector.load %arg2[%get3A_2, %get3A_3, %get3A_4] : memref<2x5120x128xf32, #tpu.memory_space<vmem>>, vector<1x5120x128xf32>
    %get3A_6 = vector.shape_cast %get3A_5 : vector<1x5120x128xf32> to vector<5120x128xf32>
    %get3A_7 = arith.constant 1 : index
    %get3A_8 = arith.constant 0 : index
    %get3A_9 = arith.constant 0 : index
    %get3A_10 = vector.load %arg2[%get3A_7, %get3A_8, %get3A_9] : memref<2x5120x128xf32, #tpu.memory_space<vmem>>, vector<1x5120x128xf32>
    %get3A_11 = vector.shape_cast %get3A_10 : vector<1x5120x128xf32> to vector<5120x128xf32>
    %concatenate3A = tpu.concatenate %get3A_6, %get3A_11 in 1 : vector<5120x128xf32>, vector<5120x128xf32> -> vector<5120x256xf32>
    %mul3A = vector.broadcast %get3A_1 : vector<5120x1xf32> to vector<5120x256xf32>
    %mul3A_12 = arith.mulf %concatenate3A, %mul3A : vector<5120x256xf32>
    %get3A_13 = arith.constant 0 : index
    %get3A_14 = arith.constant 0 : index
    %get3A_15 = vector.load %arg3[%get3A_13, %get3A_14] : memref<1x256xf32, #tpu.memory_space<vmem>>, vector<1x256xf32>
    %add3A = vector.broadcast %get3A_15 : vector<1x256xf32> to vector<5120x256xf32>
    %add3A_16 = arith.addf %mul3A_12, %add3A : vector<5120x256xf32>
    %max3A = arith.constant 0.000000e+00 : f32
    %max3A_17 = vector.broadcast %max3A : f32 to vector<5120x256xf32>
    %max3A_18 = arith.maximumf %add3A_16, %max3A_17 : vector<5120x256xf32>
    %get3A_19 = arith.constant 0 : index
    %get3A_20 = arith.constant 0 : index
    %get3A_21 = vector.load %arg4[%get3A_19, %get3A_20] : memref<256x256xf32, #tpu.memory_space<vmem>>, vector<256x256xf32>
    %dot_general3A = arith.constant dense<0.000000e+00> : vector<5120x256xf32>
    %dot_general3A_22 = tpu.matmul %max3A_18, %get3A_21, %dot_general3A {dimension_numbers = #tpu.dot_dimension_numbers<[1], [0], [0], [1], [0, 0, 1, 1], [], []>, transpose_lhs_hint = false} : vector<5120x256xf32>, vector<256x256xf32>, vector<5120x256xf32> -> vector<5120x256xf32>
    %mul3A_23 = vector.broadcast %get3A_1 : vector<5120x1xf32> to vector<5120x256xf32>
    %mul3A_24 = arith.mulf %dot_general3A_22, %mul3A_23 : vector<5120x256xf32>
    %slice3A = vector.extract_strided_slice %mul3A_24 {offsets = [0, 0], sizes = [5120, 128], strides = [1, 1]} : vector<5120x256xf32> to vector<5120x128xf32>
    %swap3A = arith.constant 0 : index
    %swap3A_25 = arith.constant 0 : index
    %swap3A_26 = arith.constant 0 : index
    %swap3A_27 = vector.load %arg5[%swap3A, %swap3A_25, %swap3A_26] : memref<2x5120x128xf32, #tpu.memory_space<vmem>>, vector<1x5120x128xf32>
    %swap3A_28 = vector.shape_cast %swap3A_27 : vector<1x5120x128xf32> to vector<5120x128xf32>
    %swap3A_29 = vector.shape_cast %slice3A : vector<5120x128xf32> to vector<1x5120x128xf32>
    tpu.vector_store %arg5[%swap3A, %swap3A_25, %swap3A_26], %swap3A_29 {strides = array<i32>} : memref<2x5120x128xf32, #tpu.memory_space<vmem>>, vector<1x5120x128xf32>,
    %slice3A_30 = vector.extract_strided_slice %mul3A_24 {offsets = [0, 128], sizes = [5120, 128], strides = [1, 1]} : vector<5120x256xf32> to vector<5120x128xf32>
    %swap3A_31 = arith.constant 1 : index
    %swap3A_32 = arith.constant 0 : index
    %swap3A_33 = arith.constant 0 : index
    %swap3A_34 = vector.load %arg5[%swap3A_31, %swap3A_32, %swap3A_33] : memref<2x5120x128xf32, #tpu.memory_space<vmem>>, vector<1x5120x128xf32>
    %swap3A_35 = vector.shape_cast %swap3A_34 : vector<1x5120x128xf32> to vector<5120x128xf32>
    %swap3A_36 = vector.shape_cast %slice3A_30 : vector<5120x128xf32> to vector<1x5120x128xf32>
    tpu.vector_store %arg5[%swap3A_31, %swap3A_32, %swap3A_33], %swap3A_36 {strides = array<i32>} : memref<2x5120x128xf32, #tpu.memory_space<vmem>>, vector<1x5120x128xf32>,
    return
  }
  func.func @transform_0(%arg0: i32) -> (i32, i32) {
    %c0_i32 = arith.constant 0 : i32
    %c0_i32_0 = arith.constant 0 : i32
    return %arg0, %c0_i32 : i32, i32
  }
  func.func @transform_1(%arg0: i32) -> (i32, i32, i32) {
    %c0_i32 = arith.constant 0 : i32
    %c0_i32_0 = arith.constant 0 : i32
    %c0_i32_1 = arith.constant 0 : i32
    return %c0_i32, %arg0, %c0_i32_0 : i32, i32, i32
  }
  func.func @transform_2(%arg0: i32) -> (i32, i32) {
    %c0_i32 = arith.constant 0 : i32
    %c0_i32_0 = arith.constant 0 : i32
    %c0_i32_1 = arith.constant 0 : i32
    return %c0_i32, %c0_i32_0 : i32, i32
  }
  func.func @transform_3(%arg0: i32) -> (i32, i32) {
    %c0_i32 = arith.constant 0 : i32
    %c0_i32_0 = arith.constant 0 : i32
    %c0_i32_1 = arith.constant 0 : i32
    return %c0_i32, %c0_i32_0 : i32, i32
  }
  func.func @transform_4(%arg0: i32) -> (i32, i32, i32) {
    %c0_i32 = arith.constant 0 : i32
    %c0_i32_0 = arith.constant 0 : i32
    %c0_i32_1 = arith.constant 0 : i32
    return %c0_i32, %arg0, %c0_i32_0 : i32, i32, i32
  }
}

module attributes {stable_mosaic.version = 14 : i64} {
  func.func @_out_body(%arg0: i32, %arg1: memref<5000x1xf32, #tpu.memory_space<vmem>>, %arg2: memref<2x5000x128xf32, #tpu.memory_space<vmem>>, %arg3: memref<1x256xf32, #tpu.memory_space<vmem>>, %arg4: memref<5000x256xf32, #tpu.memory_space<vmem>>) attributes {dimension_semantics = [#tpu.dimension_semantics<arbitrary>], iteration_bounds = array<i64: 2>, scalar_prefetch = 0 : i64, scratch_operands = 0 : i64, tpu.core_type = #tpu.core_type<tc>, window_params = [{transform_indices = @transform_0, window_bounds = array<i64: 5000, 1>}, {transform_indices = @transform_1, window_bounds = array<i64: 2, 5000, 128>}, {pipeline_mode = #tpu.pipeline_mode<synchronous>, transform_indices = @transform_2, window_bounds = array<i64: 1, 256>}, {transform_indices = @transform_3, window_bounds = array<i64: 5000, 256>}]} {
    %get3A = arith.constant 0 : index
    %get3A_0 = arith.constant 0 : index
    %get3A_1 = arith.constant 0 : index
    %get3A_2 = vector.load %arg2[%get3A, %get3A_0, %get3A_1] : memref<2x5000x128xf32, #tpu.memory_space<vmem>>, vector<1x5000x128xf32>
    %get3A_3 = vector.shape_cast %get3A_2 : vector<1x5000x128xf32> to vector<5000x128xf32>
    %get3A_4 = arith.constant 1 : index
    %get3A_5 = arith.constant 0 : index
    %get3A_6 = arith.constant 0 : index
    %get3A_7 = vector.load %arg2[%get3A_4, %get3A_5, %get3A_6] : memref<2x5000x128xf32, #tpu.memory_space<vmem>>, vector<1x5000x128xf32>
    %get3A_8 = vector.shape_cast %get3A_7 : vector<1x5000x128xf32> to vector<5000x128xf32>
    %concatenate3A = tpu.concatenate %get3A_3, %get3A_8 in 1 : vector<5000x128xf32>, vector<5000x128xf32> -> vector<5000x256xf32>
    %get3A_9 = arith.constant 0 : index
    %get3A_10 = arith.constant 0 : index
    %get3A_11 = vector.load %arg1[%get3A_9, %get3A_10] : memref<5000x1xf32, #tpu.memory_space<vmem>>, vector<5000x1xf32>
    %mul3A = vector.broadcast %get3A_11 : vector<5000x1xf32> to vector<5000x256xf32>
    %mul3A_12 = arith.mulf %concatenate3A, %mul3A : vector<5000x256xf32>
    %get3A_13 = arith.constant 0 : index
    %get3A_14 = arith.constant 0 : index
    %get3A_15 = vector.load %arg3[%get3A_13, %get3A_14] : memref<1x256xf32, #tpu.memory_space<vmem>>, vector<1x256xf32>
    %add3A = vector.broadcast %get3A_15 : vector<1x256xf32> to vector<5000x256xf32>
    %add3A_16 = arith.addf %mul3A_12, %add3A : vector<5000x256xf32>
    %swap3A = arith.constant 0 : index
    %swap3A_17 = arith.constant 0 : index
    %swap3A_18 = vector.load %arg4[%swap3A, %swap3A_17] : memref<5000x256xf32, #tpu.memory_space<vmem>>, vector<5000x256xf32>
    tpu.vector_store %arg4[%swap3A, %swap3A_17], %add3A_16 {strides = array<i32>} : memref<5000x256xf32, #tpu.memory_space<vmem>>, vector<5000x256xf32>,
    return
  }
  func.func @transform_0(%arg0: i32) -> (i32, i32) {
    %c0_i32 = arith.constant 0 : i32
    %c0_i32_0 = arith.constant 0 : i32
    return %arg0, %c0_i32 : i32, i32
  }
  func.func @transform_1(%arg0: i32) -> (i32, i32, i32) {
    %c0_i32 = arith.constant 0 : i32
    %c0_i32_0 = arith.constant 0 : i32
    %c0_i32_1 = arith.constant 0 : i32
    return %c0_i32, %arg0, %c0_i32_0 : i32, i32, i32
  }
  func.func @transform_2(%arg0: i32) -> (i32, i32) {
    %c0_i32 = arith.constant 0 : i32
    %c0_i32_0 = arith.constant 0 : i32
    %c0_i32_1 = arith.constant 0 : i32
    return %c0_i32, %c0_i32_0 : i32, i32
  }
  func.func @transform_3(%arg0: i32) -> (i32, i32) {
    %c0_i32 = arith.constant 0 : i32
    %c0_i32_0 = arith.constant 0 : i32
    return %arg0, %c0_i32 : i32, i32
  }
}

</mosaic_0001>

<sc_bundles>
// kernel: kernel.11.cloned.1.call-start
scs
__scs_entry_jumppad:
0x0: {  	(pc) =	sbr.rel $0x88, $3  }
0x1: {  	(tag) =	ssettag $0x0;
	lr =	simm.s32 $0x1  }
0x2: {  	[smem:$0x3F9B] =	sst lr;
	_ =	strace $0xD0000000  }
0x3: {  	_ = 	snop  }
0x4: {  	_ = 	snop  }
0x5: {  	_ = 	snop  }
0x6: {  	_ = 	snop  }
0x7: {  	_ = 	snop  }
__scs_overlays_trampoline_lowered:
0x8: {  	[smem:$0x3FAA] =	sst s0  }
0x9: {  	[smem:$0x3FAB] =	sst s1  }
0xa: {  	[smem:$0x3FAC] =	sst s2  }
0xb: {  	[smem:$0x3FAD] =	sst s3  }
0xc: {  	[smem:$0x3FAE] =	sst s4  }
0xd: {  	[smem:$0x3FAF] =	sst s5  }
0xe: {  	[smem:$0x3FB0] =	sst s6  }
0xf: {  	[smem:$0x3FB1] =	sst s7  }
0x10: {  	[smem:$0x3FB2] =	sst s8  }
0x11: {  	[smem:$0x3FB3] =	sst s9;
	s0 =	simm.s32 @!p0 $0x0  }
0x12: {  	s1 =	sld [smem:$0x3F99];
	s0 =	simm.s32 @p0 $0x1  }
0x13: {  	[smem:$0x3FB4] =	sst s0;
	s0 =	simm.s32 @!p1 $0x0  }
0x14: {  	s2 =	sld [smem:$0x3F98];
	s0 =	simm.s32 @p1 $0x1  }
0x15: {  	[smem:$0x3FB5] =	sst s0;
	s0 =	simm.s32 @!p2 $0x0  }
0x16: {  	s3 =	sld [smem:$0x3FDB];
	s0 =	simm.s32 @p2 $0x1  }
0x17: {  	s4 =	simm.s32 $0x1BF5;
	[smem:$0x3FB7] =	sst s0  }
0x18: {  	s0 =	sld [smem:$0x3F9A];
	_ =	swait.ge [sflag:s4], $0x0  }
0x19: {  	s7 =	sld [smem:$0x3F9B]  }
0x1a: {  	s8 =	sadd.s32 $0xFFFFE003, lr  }
0x1b: {  	s9 =	sadd.s32 $0xFFFFFEF7, lr;
	s5 =	simm.s32 $0xFFFFFFFF;
	p2 =	slt.u32 s8, $0xFFFFF086  }
0x1c: {  	p1 =	slt.u32 s9, $0xF7A;
	s5 =	simm.s32 @!p2 $0x0  }
0x1d: {  	s5 =	simm.s32 @p1 $0x1;
	p0 =	seq.s32 s7, s2  }
0x1e: {  	s7 =	smul.u32 @!p0 $0xF7A, s2;
	p2 =	seq.s32 @!p0 s5, $0x0  }
0x1f: {  	s9 =	smul.u32 $0xF7A, s1;
	s8 =	simm.s32 @!p0 $0x1BF5;
	p2 =	por !p2, p0  }
0x20: {  	[sflag:s8] =	ssyncset.s32 @!p0 $0xFFFFF086;
	s6 =	sadd.s32 @!p0 s3, s7;
	s7 =	simm.s32 @!p0 $0x108  }
0x21: {  	s3 =	sadd.s32 s3, s9;
	s6 =	sadd.s32 @!p0 $0x88, s6;
	s7 =	simm.s32 @p2 $0x1082  }
0x22: {  	[simem:s7], [sflag:s8] =	dma.local @!p0 [hbm:s6], $0xF7A  }
0x23: {  	s9 =	sor.u32 $0xD0000000, s2;
	s6 =	simm.s32 $0x108;
	_ =	swait.ge @!p0 [sflag:s8], $0x0  }
0x24: {  	s3 =	sadd.s32 $0x88, s3;
	s6 =	simm.s32 @!p1 $0x1082;
	[sflag:s4] =	ssyncset.s32 $0xFFFFF086  }
0x25: {  	[simem:s6], [sflag:s4] =	dma.local [hbm:s3], $0xF7A  }
0x26: {  	[smem:$0x3F9B] =	sst s1;
	(tag) =	ssettag s2;
	_ =	strace s9  }
0x27: {  	s1 =	sld [smem:$0x3FAB]  }
0x28: {  	s2 =	sld [smem:$0x3FAC]  }
0x29: {  	s4 =	sld [smem:$0x3FAE]  }
0x2a: {  	p0 =	seq.s32 s5, $0x0;
	s5 =	sld [smem:$0x3FAF]  }
0x2b: {  	s6 =	sld [smem:$0x3FB0]  }
0x2c: {  	s7 =	sld [smem:$0x3FB1]  }
0x2d: {  	s3 =	simm.s32 $0x108;
	s8 =	sld [smem:$0x3FB2]  }
0x2e: {  	s3 =	simm.s32 @!p0 $0x1082;
	s9 =	sld [smem:$0x3FB3]  }
0x2f: {  	lr =	sadd.s32 s0, s3;
	s0 =	sld [smem:$0x3FAA]  }
0x30: {  	s3 =	sld [smem:$0x3FAD]  }
0x31: {  	[smem:$0x3FB6] =	sst s10  }
0x32: {  	s10 =	sld [smem:$0x3FB4];
	_ =	sdelay $0x3  }
0x33: {  	p0 =	seq.s32 s10, $0x1;
	s10 =	sld [smem:$0x3FB6];
	_ =	sdelay $0x3  }
0x34: {  	[smem:$0x3FB6] =	sst s10  }
0x35: {  	s10 =	sld [smem:$0x3FB5];
	_ =	sdelay $0x3  }
0x36: {  	p1 =	seq.s32 s10, $0x1;
	s10 =	sld [smem:$0x3FB6];
	_ =	sdelay $0x3  }
0x37: {  	[smem:$0x3FB6] =	sst s10  }
0x38: {  	s10 =	sld [smem:$0x3FB7]  }
0x39: {  	_ = 	snop;
	(pc) =	sbr.ind lr, $3  }
0x3a: {  	_ = 	snop  }
0x3b: {  	_ = 	snop  }
0x3c: {  	p2 =	seq.s32 s10, $0x1;
	s10 =	sld [smem:$0x3FB6]  }
0x3d: {  	_ =	shalt  }
0x3e: {  	_ =	shalt  }
0x3f: {  	_ =	shalt  }
0x40: {  	_ =	shalt  }
0x41: {  	_ =	shalt  }
0x42: {  	_ =	shalt  }
0x43: {  	_ =	shalt  }
0x44: {  	_ =	shalt  }
0x45: {  	_ =	shalt  }
0x46: {  	_ =	shalt  }
0x47: {  	_ =	shalt  }
0x48: {  	_ =	shalt  }
0x49: {  	_ =	shalt  }
0x4a: {  	_ =	shalt  }
0x4b: {  	_ =	shalt  }
0x4c: {  	_ =	shalt  }
0x4d: {  	_ =	shalt  }
0x4e: {  	_ =	shalt  }
0x4f: {  	_ =	shalt  }
0x50: {  	_ =	shalt  }
0x51: {  	_ =	shalt  }
0x52: {  	_ =	shalt  }
0x53: {  	_ =	shalt  }
0x54: {  	_ =	shalt  }
0x55: {  	_ =	shalt  }
0x56: {  	_ =	shalt  }
0x57: {  	_ =	shalt  }
0x58: {  	_ =	shalt  }
0x59: {  	_ =	shalt  }
0x5a: {  	_ =	shalt  }
0x5b: {  	_ =	shalt  }
0x5c: {  	_ =	shalt  }
0x5d: {  	_ =	shalt  }
0x5e: {  	_ =	shalt  }
0x5f: {  	_ =	shalt  }
0x60: {  	_ =	shalt  }
0x61: {  	_ =	shalt  }
0x62: {  	_ =	shalt  }
0x63: {  	_ =	shalt  }
0x64: {  	_ =	shalt  }
0x65: {  	_ =	shalt  }
0x66: {  	_ =	shalt  }
0x67: {  	_ =	shalt  }
0x68: {  	_ =	shalt  }
0x69: {  	_ =	shalt  }
0x6a: {  	_ =	shalt  }
0x6b: {  	_ =	shalt  }
0x6c: {  	_ =	shalt  }
0x6d: {  	_ =	shalt  }
0x6e: {  	_ =	shalt  }
0x6f: {  	_ =	shalt  }
0x70: {  	_ =	shalt  }
0x71: {  	_ =	shalt  }
0x72: {  	_ =	shalt  }
0x73: {  	_ =	shalt  }
0x74: {  	_ =	shalt  }
0x75: {  	_ =	shalt  }
0x76: {  	_ =	shalt  }
0x77: {  	_ =	shalt  }
0x78: {  	_ =	shalt  }
0x79: {  	_ =	shalt  }
0x7a: {  	_ =	shalt  }
0x7b: {  	_ =	shalt  }
0x7c: {  	_ =	shalt  }
0x7d: {  	_ =	shalt  }
0x7e: {  	_ =	shalt  }
0x7f: {  	_ =	shalt  }
0x80: {  	_ =	shalt  }
0x81: {  	_ =	shalt  }
0x82: {  	_ =	shalt  }
0x83: {  	_ =	shalt  }
0x84: {  	_ =	shalt  }
0x85: {  	_ =	shalt  }
0x86: {  	_ =	shalt  }
0x87: {  	_ =	shalt  }
.Lfunc_end0:
.L_simem_size_0:
called_computation.1_lowered:
.L_overlay_start_0:
0x88: {  	s2 =	sld [smem:$0x3FD9]  }
0x89: {  	s3 =	sld [smem:$0x3FFE];
	_ =	sdelay $0x1  }
0x8a: {  	s1 =	srdreg.scid  }
0x8b: {  	s0 =	sand.u32 $0x1, s1  }
0x8c: {  	s17 =	sshll.u32 s0, $0xA;
	s2 =	sadd.s32 s3, s2  }
0x8d: {  	s2 =	sadd.s32 s2, s17  }
0x8e: {  	[smem:$0x3FC2] =	sst s2  }
0x8f: {  	_ = 	snop  }
0x90: {  	s2 =	sld [smem:$0x3FD0];
	(tm) =	ssettm $0x1  }
0x91: {  	s18 =	sld [smem:$0x3FFB];
	_ =	sdelay $0x3  }
0x92: {  	_ =	strace s18  }
0x93: {  	s3 =	sld [smem:$0x3FFC];
	_ =	sdelay $0x3  }
0x94: {  	_ =	strace s3  }
0x95: {  	s3 =	sld [smem:$0x3FFD];
	_ =	sdelay $0x3  }
0x96: {  	_ =	strace s3  }
0x97: {  	_ =	strace $0x8FFFFFFF  }
0x98: {  	s19 =	sld [smem:$0x3FDB];
	_ =	sdelay $0x1  }
0x99: {  	s4 =	simm.s32 $_scs_section_size  }
0x9a: {  	s5 =	simm.s32 $_size__tile_overlayer_lowered;
	s6 =	simm.s32 $_tile_overlayer_lowered  }
0x9b: {  	s22 =	simm.s32 $0x1BFF;
	s21 =	sshll.u32 s6, $0x1;
	s3 =	sadd.s32 s4, s19  }
0x9c: {  	s7 =	simm.s32 $0x0;
	s20 =	sshll.u32 s5, $0x1;
	s5 =	sadd.s32 s21, s3  }
0x9d: {  	[timem:s7], [sflag:s22] =	dma.local [hbm:s5], s20  }
0x9e: {  	_ =	swait.ge [sflag:s22], s20  }
0x9f: {  	s4 =	ssub.s32 $0x0, s20;
	[sflag:s22] =	ssyncset.done $0x0  }
0xa0: {  	[sflag:s22] =	ssyncadd.s32 s4;
	_ =	sdelay $0x1  }
0xa1: {  	s23 =	simm.s32 $0x1B8B  }
0xa2: {  	_ =	swait.ge [sflag:s23], $0x1  }
0xa3: {  	[sflag:s23] =	ssyncset.done $0x0  }
0xa4: {  	s25 =	simm.s32 $0x1B8E;
	s24 =	sld [smem:$0x3FFE];
	[sflag:s23] =	ssyncadd.s32 $0xFFFFFFFF  }
0xa5: {  	s26 =	simm.s32 $execute0_lowered;
	[smem:$0x3FD2] =	sst s25  }
0xa6: {  	s5 =	sshll.u32 s26, $0x1;
	_ =	strace $0x80000049;
	[dreg:$0x1] =	wrdreg $0xFFFFFFFF  }
0xa7: {  	s28 =	simm.s32 $_size_execute0_lowered;
	s3 =	sadd.s32 s3, s5;
	[dreg:$0x0] =	wrdreg $0x0  }
0xa8: {  	s5 =	sshll.u32 s28, $0x1;
	[dreg:$0x2] =	wrdreg s3  }
0xa9: {  	[dreg:$0x3] =	wrdreg s5  }
0xaa: {  	[dreg:$0x4] =	wrdreg $0xC0  }
0xab: {  	_ =	task [dreg:s7], $0x5FFFF  }
0xac: {  	[dreg:$0x1] =	wrdreg $0xFFFFFFFF  }
0xad: {  	[dreg:$0x0] =	wrdreg $0x60  }
0xae: {  	[dreg:$0x2] =	wrdreg s24  }
0xaf: {  	[dreg:$0x3] =	wrdreg s2  }
0xb0: {  	[dreg:$0x4] =	wrdreg $0x90000  }
0xb1: {  	[dreg:$0x5] =	wrdreg $0x9  }
0xb2: {  	_ =	task.clear_ibuf [dreg:s7], $0x6FFFF;
	_ =	strace $0x90000049  }
0xb3: {  	s29 =	simm.s32 $0x9;
	_ =	strace $0x8000004B  }
0xb4: {  	_ =	swait.ge [sflag:s29], $0x1  }
0xb5: {  	[sflag:s29] =	ssyncadd.s32 $0xFFFFFFFF  }
0xb6: {  	_ =	strace $0x9000004B  }
0xb7: {  	_ =	sfence  }
0xb8: {  	s30 =	sld [smem:$0x0];
	_ =	sdelay $0x2  }
0xb9: {  	s31 =	sshll.u32 s1, $0xD;
	s1 =	sshrl.u32 s1, $0x2  }
0xba: {  	s3 =	sand.u32 $0x4000, s31;
	s1 =	sadd.s32 s1, s30  }
0xbb: {  	s0 =	sor.u32 s3, s0;
	s1 =	sshll.u32 s1, $0x11  }
0xbc: {  	s0 =	sor.u32 s1, s0  }
0xbd: {  	s0 =	sadd.s32 $0x8F2B, s0  }
0xbe: {  	[sflag:s0] =	ssyncadd.remote.s32 $0x1  }
0xbf: {  	_ =	sfence.sel $0xFFFF  }
0xc0: {  	[dreg:$0x0] =	wrdreg $0xFFFFFFFF;
	(pc) =	sbr.abs _section_cstart, $3  }
0xc1: {  	[dreg:$0x1] =	wrdreg $0xFFFFFFFF  }
0xc2: {  	_ =	task.clear_ibuf [dreg:s7], $0x2FFFF;
	_ =	strace $0x9FFFFFFF  }
0xc3: {  	(tm) =	ssettm $0x7FFFFFFF  }
tec
execute0_lowered:
.L_overlay_start_1:
0x0: {  	(tag) =	ssettag $0x1  }
0x1: {  	s4 =	rddreg [dreg:$0x0]  }
0x2: {  	s7 =	rddreg [dreg:$0x1]  }
0x3: {  	s1 =	rddreg [dreg:$0x2];
	s2 =	srdreg.scid  }
0x4: {  	s0 =	rddreg [dreg:$0x3];
	s5 =	sand.u32 $0x1, s2  }
0x5: {  	s3 =	simm.s32 $0x0;
	s2 =	stileid.u32;
	s8 =	smul.u32 $0x140000, s5  }
0x6: {  	s15 =	simm.s32 $0x5000;
	s16 =	simm.s32 $0x0;
	s6 =	smul.u32 $0x14000, s2  }
0x7: {  	[smem:$0x7FF] =	sst s3;
	s9 =	sadd.s32 $0x7800, s4;
	s10 =	smul.u32 $0x500, s2  }
0x8: {  	_ =	strace $0x8000004A;
	s5 =	ssub.s32 $0x2, s5;
	s11 =	smul.u32 $0x50000, s2  }
0x9: {  	s31 =	sshll.u32 s2, $0x6;
	s29 =	sshrl.u32 s5, $0x1;
	s6 =	sadd.s32 s6, s8  }
0xa: {  	s12 =	sadd.s32 s10, s4;
	s14 =	ssub.s32 s5, s29;
	s30 =	sshrl.u32 s11, $0x2  }
0xb: {  	s5 =	sor.u32 $0x1C01, s31;
	s7 =	sadd.s32 s7, s10;
	s8 =	sshrl.u32 s8, $0x3  }
0xc: {  	s6 =	sshrl.u32 s6, $0x3;
	s11 =	sadd.s32 s30, s1;
	s8 =	sadd.s32 s9, s8  }
0xd: {  	s10 =	smax.u32 s14, $0x1;
	s14 =	simm.s32 $0x7D;
	s13 =	sadd.s32 s6, s4  }
0xe: {  	s4 =	sadd.s32 s9, s6;
	s6 =	sadd.s32 $0x2800, s12;
	s11 =	sshrl.u32 s11, $0x3  }
0xf: {  	s12 =	simm.s32 $0x1;
	s9 =	sadd.s32 $0x57800, s13;
	s13 =	simm.s32 $0x2800  }
.LBB2_1:
0x10: {  	[spmem:s11], [sflag:s5] =	dma.local [hbm:s4], $0x2800  }
0x11: {  	_ =	swait.ge [sflag:s12], $0x2800  }
0x12: {  	[sflag:s12] =	ssyncset.done $0x0  }
0x13: {  	[sflag:s12] =	ssyncadd.s32 $0xFFFFD800  }
0x14: {  	[tilespmem:s3], [sflag:$0x1] =	stream.linear.gather [hbm4b:s6+s3], $0x2800, $0x38;
	[tilespmem:$0x1D000] =	vst v63  }
0x15: {  	_ =	swait.ge [sflag:s12], $0x2800  }
0x16: {  	[sflag:s12] =	ssyncset.done $0x0  }
0x17: {  	[sflag:s12] =	ssyncadd.s32 $0xFFFFD800  }
0x18: {  	[tilespmem:s13], [sflag:$0x1] =	stream.linear.gather [hbm4b:s7+s3], $0x2800, $0x38;
	[tilespmem:$0x1D000] =	vst v63  }
0x19: {  	_ =	swait.ge [sflag:s12], $0x2800  }
0x1a: {  	[sflag:s12] =	ssyncset.done $0x0  }
0x1b: {  	[sflag:s12] =	ssyncadd.s32 $0xFFFFD800  }
0x1c: {  	s17 =	simm.s32 $0x0;
	[bflag:$0x0] =	sbarrier.arrive $0xFFFF  }
0x1d: {  	[tilespmem:s15], [sflag:$0x1] =	stream.indirect.gather [hbm4b:s8+s14], $0x80, s17, s14, $0xb8;
	[tilespmem:$0x1D000] =	vst v63  }
0x1e: {  	_ =	swait.ge [sflag:s12], $0x3E80  }
0x1f: {  	[sflag:s12] =	ssyncset.done $0x0  }
0x20: {  	s31 =	simm.s32 $0x2800;
	[sflag:s12] =	ssyncadd.s32 $0xFFFFC180  }
0x21: {  	[spmem:s1] =	stream.indirect.scatter.add.f32 [tilespmem:s15], [sflag:$0x1], $0x80, s31, s14, $0xb8;
	[tilespmem:$0x1D000] =	vst v63  }
0x22: {  	_ =	swait.ge [sflag:s12], $0x3E80  }
0x23: {  	s18 =	simm.s32 $0x400;
	s17 =	simm.s32 $0x200;
	[sflag:s12] =	ssyncset.done $0x0  }
.LBB2_2:
0x24: {  	s19 =	sshra.s32 s17, $0x2  }
0x25: {  	[sflag:s12] =	ssyncadd.s32 $0xFFFFC180;
	s17 =	smov.u32 s18;
	s20 =	sadd.s32 $0x200, s18  }
0x26: {  	[tilespmem:s15], [sflag:$0x1] =	stream.indirect.gather [hbm4b:s8+s14], $0x80, s19, s14, $0xb8;
	[tilespmem:$0x1D000] =	vst v63  }
0x27: {  	p0 =	sne.s32 s18, $0x9E00;
	_ =	swait.ge [sflag:s12], $0x3E80  }
.Ltmp0:
0x28: {  	[sflag:s12] =	ssyncset.done $0x0;
	(pc) =	sbr.rel @p0 .LBB2_2-.Ltmp0, $4  }
0x29: {  	s18 =	sadd.s32 $0x2800, s19;
	[sflag:s12] =	ssyncadd.s32 $0xFFFFC180  }
0x2a: {  	[spmem:s1] =	stream.indirect.scatter.add.f32 [tilespmem:s15], [sflag:$0x1], $0x80, s18, s14, $0xb8;
	[tilespmem:$0x1D000] =	vst v63  }
0x2b: {  	_ =	swait.ge [sflag:s12], $0x3E80  }
0x2c: {  	s18 =	smov.u32 s20;
	[sflag:s12] =	ssyncset.done $0x0  }
0x2d: {  	s17 =	sshra.s32 s17, $0x2;
	[sflag:s12] =	ssyncadd.s32 $0xFFFFC180  }
0x2e: {  	[tilespmem:s15], [sflag:$0x1] =	stream.indirect.gather [hbm4b:s8+s14], $0x80, s17, s14, $0xb8;
	[tilespmem:$0x1D000] =	vst v63  }
0x2f: {  	_ =	swait.ge [sflag:s12], $0x3E80  }
0x30: {  	[sflag:s12] =	ssyncset.done $0x0  }
0x31: {  	s17 =	sadd.s32 $0x2800, s17;
	[sflag:s12] =	ssyncadd.s32 $0xFFFFC180  }
0x32: {  	[spmem:s1] =	stream.indirect.scatter.add.f32 [tilespmem:s15], [sflag:$0x1], $0x80, s17, s14, $0xb8;
	[tilespmem:$0x1D000] =	vst v63  }
0x33: {  	_ =	swait.ge [sflag:s12], $0x3E80  }
0x34: {  	s16 =	sadd.s32 $0x1, s16;
	[sflag:s12] =	ssyncset.done $0x0  }
0x35: {  	p0 =	sne.s32 s16, s10;
	[sflag:s12] =	ssyncadd.s32 $0xFFFFC180  }
.Ltmp1:
0x36: {  	[bflag:$0x0] =	sbarrier.arrive $0xFFFF;
	(pc) =	sbr.rel @p0 .LBB2_1-.Ltmp1, $4  }
0x37: {  	[hbm:s9], [sflag:s5] =	dma.local [spmem:s11], $0x2800  }
0x38: {  	_ =	swait.ge [sflag:s12], $0x2800  }
0x39: {  	[sflag:s12] =	ssyncset.done $0x0  }
0x3a: {  	[sflag:s12] =	ssyncadd.s32 $0xFFFFD800  }
0x3b: {  	_ =	sfence.sel $0x180000  }
0x3c: {  	[bflag:$0x0] =	sbarrier.arrive $0xFFFF  }
0x3d: {  	p0 =	sne.s32 s2, $0x0;
	_ =	strace $0x9000004A  }
0x3e: {  	s0 =	sadd.s32 @!p0 $0x100000, s0;
	[bflag:$0x2] =	sbarrier.arrive $0xFFFF  }
0x3f: {  	[sflag:s0] =	ssyncadd.tile.s32 @!p0 $0x1;
	_ =	shalt  }
.Lfunc_end2:
_tile_overlayer_lowered:
.L_overlay_start_2:
0x40: {  	(tag) =	ssettag $0x2  }
0x41: {  	s0 =	rddreg [dreg:$0x0];
	s2 =	stileid.u32  }
0x42: {  	s1 =	rddreg [dreg:$0x1];
	p0 =	sne.s32 s2, $0x0  }
0x43: {  	s3 =	rddreg [dreg:$0x2];
	[bflag:$0x3] =	sbarrier.arrive $0xFFFF;
	s2 =	simm.s32 @!p0 $0x1C01  }
0x44: {  	[timem:s3], [sflag:s2] =	dma.local @!p0 [hbm:s0], s1  }
0x45: {  	s0 =	simm.s32 @!p0 $0x1  }
0x46: {  	_ =	swait.ge @!p0 [sflag:s0], s1  }
0x47: {  	s1 =	ssub.s32 @!p0 $0x0, s1;
	[sflag:s0] =	ssyncset.done @!p0 $0x0  }
0x48: {  	[sflag:s0] =	ssyncadd.s32 @!p0 s1  }
0x49: {  	[bflag:$0x3] =	sbarrier.arrive $0xFFFF  }
0x4a: {  	_ =	shalt  }

// kernel: kernel.14.cloned.1.call-start
scs
__scs_entry_jumppad:
0x0: {  	(pc) =	sbr.rel $0x88, $3  }
0x1: {  	(tag) =	ssettag $0x0;
	lr =	simm.s32 $0x1  }
0x2: {  	[smem:$0x3F9B] =	sst lr;
	_ =	strace $0xD0000000  }
0x3: {  	_ = 	snop  }
0x4: {  	_ = 	snop  }
0x5: {  	_ = 	snop  }
0x6: {  	_ = 	snop  }
0x7: {  	_ = 	snop  }
__scs_overlays_trampoline_lowered:
0x8: {  	[smem:$0x3FAA] =	sst s0  }
0x9: {  	[smem:$0x3FAB] =	sst s1  }
0xa: {  	[smem:$0x3FAC] =	sst s2  }
0xb: {  	[smem:$0x3FAD] =	sst s3  }
0xc: {  	[smem:$0x3FAE] =	sst s4  }
0xd: {  	[smem:$0x3FAF] =	sst s5  }
0xe: {  	[smem:$0x3FB0] =	sst s6  }
0xf: {  	[smem:$0x3FB1] =	sst s7  }
0x10: {  	[smem:$0x3FB2] =	sst s8  }
0x11: {  	[smem:$0x3FB3] =	sst s9;
	s0 =	simm.s32 @!p0 $0x0  }
0x12: {  	s1 =	sld [smem:$0x3F99];
	s0 =	simm.s32 @p0 $0x1  }
0x13: {  	[smem:$0x3FB4] =	sst s0;
	s0 =	simm.s32 @!p1 $0x0  }
0x14: {  	s2 =	sld [smem:$0x3F98];
	s0 =	simm.s32 @p1 $0x1  }
0x15: {  	[smem:$0x3FB5] =	sst s0;
	s0 =	simm.s32 @!p2 $0x0  }
0x16: {  	s3 =	sld [smem:$0x3FDB];
	s0 =	simm.s32 @p2 $0x1  }
0x17: {  	s4 =	simm.s32 $0x1BF5;
	[smem:$0x3FB7] =	sst s0  }
0x18: {  	s0 =	sld [smem:$0x3F9A];
	_ =	swait.ge [sflag:s4], $0x0  }
0x19: {  	s7 =	sld [smem:$0x3F9B]  }
0x1a: {  	s8 =	sadd.s32 $0xFFFFE003, lr  }
0x1b: {  	s9 =	sadd.s32 $0xFFFFFEF7, lr;
	s5 =	simm.s32 $0xFFFFFFFF;
	p2 =	slt.u32 s8, $0xFFFFF086  }
0x1c: {  	p1 =	slt.u32 s9, $0xF7A;
	s5 =	simm.s32 @!p2 $0x0  }
0x1d: {  	s5 =	simm.s32 @p1 $0x1;
	p0 =	seq.s32 s7, s2  }
0x1e: {  	s7 =	smul.u32 @!p0 $0xF7A, s2;
	p2 =	seq.s32 @!p0 s5, $0x0  }
0x1f: {  	s9 =	smul.u32 $0xF7A, s1;
	s8 =	simm.s32 @!p0 $0x1BF5;
	p2 =	por !p2, p0  }
0x20: {  	[sflag:s8] =	ssyncset.s32 @!p0 $0xFFFFF086;
	s6 =	sadd.s32 @!p0 s3, s7;
	s7 =	simm.s32 @!p0 $0x108  }
0x21: {  	s3 =	sadd.s32 s3, s9;
	s6 =	sadd.s32 @!p0 $0x88, s6;
	s7 =	simm.s32 @p2 $0x1082  }
0x22: {  	[simem:s7], [sflag:s8] =	dma.local @!p0 [hbm:s6], $0xF7A  }
0x23: {  	s9 =	sor.u32 $0xD0000000, s2;
	s6 =	simm.s32 $0x108;
	_ =	swait.ge @!p0 [sflag:s8], $0x0  }
0x24: {  	s3 =	sadd.s32 $0x88, s3;
	s6 =	simm.s32 @!p1 $0x1082;
	[sflag:s4] =	ssyncset.s32 $0xFFFFF086  }
0x25: {  	[simem:s6], [sflag:s4] =	dma.local [hbm:s3], $0xF7A  }
0x26: {  	[smem:$0x3F9B] =	sst s1;
	(tag) =	ssettag s2;
	_ =	strace s9  }
0x27: {  	s1 =	sld [smem:$0x3FAB]  }
0x28: {  	s2 =	sld [smem:$0x3FAC]  }
0x29: {  	s4 =	sld [smem:$0x3FAE]  }
0x2a: {  	p0 =	seq.s32 s5, $0x0;
	s5 =	sld [smem:$0x3FAF]  }
0x2b: {  	s6 =	sld [smem:$0x3FB0]  }
0x2c: {  	s7 =	sld [smem:$0x3FB1]  }
0x2d: {  	s3 =	simm.s32 $0x108;
	s8 =	sld [smem:$0x3FB2]  }
0x2e: {  	s3 =	simm.s32 @!p0 $0x1082;
	s9 =	sld [smem:$0x3FB3]  }
0x2f: {  	lr =	sadd.s32 s0, s3;
	s0 =	sld [smem:$0x3FAA]  }
0x30: {  	s3 =	sld [smem:$0x3FAD]  }
0x31: {  	[smem:$0x3FB6] =	sst s10  }
0x32: {  	s10 =	sld [smem:$0x3FB4];
	_ =	sdelay $0x3  }
0x33: {  	p0 =	seq.s32 s10, $0x1;
	s10 =	sld [smem:$0x3FB6];
	_ =	sdelay $0x3  }
0x34: {  	[smem:$0x3FB6] =	sst s10  }
0x35: {  	s10 =	sld [smem:$0x3FB5];
	_ =	sdelay $0x3  }
0x36: {  	p1 =	seq.s32 s10, $0x1;
	s10 =	sld [smem:$0x3FB6];
	_ =	sdelay $0x3  }
0x37: {  	[smem:$0x3FB6] =	sst s10  }
0x38: {  	s10 =	sld [smem:$0x3FB7]  }
0x39: {  	_ = 	snop;
	(pc) =	sbr.ind lr, $3  }
0x3a: {  	_ = 	snop  }
0x3b: {  	_ = 	snop  }
0x3c: {  	p2 =	seq.s32 s10, $0x1;
	s10 =	sld [smem:$0x3FB6]  }
0x3d: {  	_ =	shalt  }
0x3e: {  	_ =	shalt  }
0x3f: {  	_ =	shalt  }
0x40: {  	_ =	shalt  }
0x41: {  	_ =	shalt  }
0x42: {  	_ =	shalt  }
0x43: {  	_ =	shalt  }
0x44: {  	_ =	shalt  }
0x45: {  	_ =	shalt  }
0x46: {  	_ =	shalt  }
0x47: {  	_ =	shalt  }
0x48: {  	_ =	shalt  }
0x49: {  	_ =	shalt  }
0x4a: {  	_ =	shalt  }
0x4b: {  	_ =	shalt  }
0x4c: {  	_ =	shalt  }
0x4d: {  	_ =	shalt  }
0x4e: {  	_ =	shalt  }
0x4f: {  	_ =	shalt  }
0x50: {  	_ =	shalt  }
0x51: {  	_ =	shalt  }
0x52: {  	_ =	shalt  }
0x53: {  	_ =	shalt  }
0x54: {  	_ =	shalt  }
0x55: {  	_ =	shalt  }
0x56: {  	_ =	shalt  }
0x57: {  	_ =	shalt  }
0x58: {  	_ =	shalt  }
0x59: {  	_ =	shalt  }
0x5a: {  	_ =	shalt  }
0x5b: {  	_ =	shalt  }
0x5c: {  	_ =	shalt  }
0x5d: {  	_ =	shalt  }
0x5e: {  	_ =	shalt  }
0x5f: {  	_ =	shalt  }
0x60: {  	_ =	shalt  }
0x61: {  	_ =	shalt  }
0x62: {  	_ =	shalt  }
0x63: {  	_ =	shalt  }
0x64: {  	_ =	shalt  }
0x65: {  	_ =	shalt  }
0x66: {  	_ =	shalt  }
0x67: {  	_ =	shalt  }
0x68: {  	_ =	shalt  }
0x69: {  	_ =	shalt  }
0x6a: {  	_ =	shalt  }
0x6b: {  	_ =	shalt  }
0x6c: {  	_ =	shalt  }
0x6d: {  	_ =	shalt  }
0x6e: {  	_ =	shalt  }
0x6f: {  	_ =	shalt  }
0x70: {  	_ =	shalt  }
0x71: {  	_ =	shalt  }
0x72: {  	_ =	shalt  }
0x73: {  	_ =	shalt  }
0x74: {  	_ =	shalt  }
0x75: {  	_ =	shalt  }
0x76: {  	_ =	shalt  }
0x77: {  	_ =	shalt  }
0x78: {  	_ =	shalt  }
0x79: {  	_ =	shalt  }
0x7a: {  	_ =	shalt  }
0x7b: {  	_ =	shalt  }
0x7c: {  	_ =	shalt  }
0x7d: {  	_ =	shalt  }
0x7e: {  	_ =	shalt  }
0x7f: {  	_ =	shalt  }
0x80: {  	_ =	shalt  }
0x81: {  	_ =	shalt  }
0x82: {  	_ =	shalt  }
0x83: {  	_ =	shalt  }
0x84: {  	_ =	shalt  }
0x85: {  	_ =	shalt  }
0x86: {  	_ =	shalt  }
0x87: {  	_ =	shalt  }
.Lfunc_end0:
.L_simem_size_0:
called_computation.2_lowered:
.L_overlay_start_0:
0x88: {  	s2 =	sld [smem:$0x3FD9]  }
0x89: {  	s3 =	sld [smem:$0x3FFE];
	_ =	sdelay $0x1  }
0x8a: {  	s1 =	srdreg.scid  }
0x8b: {  	s0 =	sand.u32 $0x1, s1  }
0x8c: {  	s17 =	sshll.u32 s0, $0xA;
	s2 =	sadd.s32 s3, s2  }
0x8d: {  	s2 =	sadd.s32 s2, s17  }
0x8e: {  	[smem:$0x3FC2] =	sst s2  }
0x8f: {  	_ = 	snop  }
0x90: {  	s2 =	sld [smem:$0x3FD0];
	(tm) =	ssettm $0x1  }
0x91: {  	s18 =	sld [smem:$0x3FFB];
	_ =	sdelay $0x3  }
0x92: {  	_ =	strace s18  }
0x93: {  	s3 =	sld [smem:$0x3FFC];
	_ =	sdelay $0x3  }
0x94: {  	_ =	strace s3  }
0x95: {  	s3 =	sld [smem:$0x3FFD];
	_ =	sdelay $0x3  }
0x96: {  	_ =	strace s3  }
0x97: {  	_ =	strace $0x8FFFFFFF  }
0x98: {  	s19 =	sld [smem:$0x3FDB];
	_ =	sdelay $0x1  }
0x99: {  	s4 =	simm.s32 $_scs_section_size  }
0x9a: {  	s5 =	simm.s32 $_size__tile_overlayer_lowered;
	s6 =	simm.s32 $_tile_overlayer_lowered  }
0x9b: {  	s22 =	simm.s32 $0x1BFF;
	s21 =	sshll.u32 s6, $0x1;
	s3 =	sadd.s32 s4, s19  }
0x9c: {  	s7 =	simm.s32 $0x0;
	s20 =	sshll.u32 s5, $0x1;
	s5 =	sadd.s32 s21, s3  }
0x9d: {  	[timem:s7], [sflag:s22] =	dma.local [hbm:s5], s20  }
0x9e: {  	_ =	swait.ge [sflag:s22], s20  }
0x9f: {  	s4 =	ssub.s32 $0x0, s20;
	[sflag:s22] =	ssyncset.done $0x0  }
0xa0: {  	[sflag:s22] =	ssyncadd.s32 s4;
	_ =	sdelay $0x1  }
0xa1: {  	s23 =	simm.s32 $0x1B8B  }
0xa2: {  	_ =	swait.ge [sflag:s23], $0x1  }
0xa3: {  	[sflag:s23] =	ssyncset.done $0x0  }
0xa4: {  	s25 =	simm.s32 $0x1B8E;
	s24 =	sld [smem:$0x3FFE];
	[sflag:s23] =	ssyncadd.s32 $0xFFFFFFFF  }
0xa5: {  	s26 =	simm.s32 $execute0_lowered;
	[smem:$0x3FD2] =	sst s25  }
0xa6: {  	s5 =	sshll.u32 s26, $0x1;
	_ =	strace $0x8000004C;
	[dreg:$0x1] =	wrdreg $0xFFFFFFFF  }
0xa7: {  	s28 =	simm.s32 $_size_execute0_lowered;
	s3 =	sadd.s32 s3, s5;
	[dreg:$0x0] =	wrdreg $0x0  }
0xa8: {  	s5 =	sshll.u32 s28, $0x1;
	[dreg:$0x2] =	wrdreg s3  }
0xa9: {  	[dreg:$0x3] =	wrdreg s5  }
0xaa: {  	[dreg:$0x4] =	wrdreg $0xC0  }
0xab: {  	_ =	task [dreg:s7], $0x5FFFF  }
0xac: {  	[dreg:$0x1] =	wrdreg $0xFFFFFFFF  }
0xad: {  	[dreg:$0x0] =	wrdreg $0x60  }
0xae: {  	[dreg:$0x2] =	wrdreg s24  }
0xaf: {  	[dreg:$0x3] =	wrdreg s2  }
0xb0: {  	[dreg:$0x4] =	wrdreg $0x90000  }
0xb1: {  	[dreg:$0x5] =	wrdreg $0x9  }
0xb2: {  	_ =	task.clear_ibuf [dreg:s7], $0x6FFFF;
	_ =	strace $0x9000004C  }
0xb3: {  	s29 =	simm.s32 $0x9;
	_ =	strace $0x8000004E  }
0xb4: {  	_ =	swait.ge [sflag:s29], $0x1  }
0xb5: {  	[sflag:s29] =	ssyncadd.s32 $0xFFFFFFFF  }
0xb6: {  	_ =	strace $0x9000004E  }
0xb7: {  	_ =	sfence  }
0xb8: {  	s30 =	sld [smem:$0x0];
	_ =	sdelay $0x2  }
0xb9: {  	s31 =	sshll.u32 s1, $0xD;
	s1 =	sshrl.u32 s1, $0x2  }
0xba: {  	s3 =	sand.u32 $0x4000, s31;
	s1 =	sadd.s32 s1, s30  }
0xbb: {  	s0 =	sor.u32 s3, s0;
	s1 =	sshll.u32 s1, $0x11  }
0xbc: {  	s0 =	sor.u32 s1, s0  }
0xbd: {  	s0 =	sadd.s32 $0x8F2B, s0  }
0xbe: {  	[sflag:s0] =	ssyncadd.remote.s32 $0x1  }
0xbf: {  	_ =	sfence.sel $0xFFFF  }
0xc0: {  	[dreg:$0x0] =	wrdreg $0xFFFFFFFF;
	(pc) =	sbr.abs _section_cstart, $3  }
0xc1: {  	[dreg:$0x1] =	wrdreg $0xFFFFFFFF  }
0xc2: {  	_ =	task.clear_ibuf [dreg:s7], $0x2FFFF;
	_ =	strace $0x9FFFFFFF  }
0xc3: {  	(tm) =	ssettm $0x7FFFFFFF  }
tec
execute0_lowered:
.L_overlay_start_1:
0x0: {  	(tag) =	ssettag $0x1  }
0x1: {  	s4 =	rddreg [dreg:$0x0]  }
0x2: {  	s7 =	rddreg [dreg:$0x1]  }
0x3: {  	s1 =	rddreg [dreg:$0x2];
	s2 =	srdreg.scid  }
0x4: {  	s0 =	rddreg [dreg:$0x3];
	s5 =	sand.u32 $0x1, s2  }
0x5: {  	s3 =	simm.s32 $0x0;
	s2 =	stileid.u32;
	s8 =	smul.u32 $0x140000, s5  }
0x6: {  	s15 =	simm.s32 $0x5000;
	s16 =	simm.s32 $0x0;
	s6 =	smul.u32 $0x14000, s2  }
0x7: {  	[smem:$0x7FF] =	sst s3;
	s9 =	sadd.s32 $0x7800, s4;
	s10 =	smul.u32 $0x500, s2  }
0x8: {  	_ =	strace $0x8000004D;
	s5 =	ssub.s32 $0x2, s5;
	s11 =	smul.u32 $0x50000, s2  }
0x9: {  	s31 =	sshll.u32 s2, $0x6;
	s29 =	sshrl.u32 s5, $0x1;
	s6 =	sadd.s32 s6, s8  }
0xa: {  	s12 =	sadd.s32 s10, s4;
	s14 =	ssub.s32 s5, s29;
	s30 =	sshrl.u32 s11, $0x2  }
0xb: {  	s5 =	sor.u32 $0x1C01, s31;
	s7 =	sadd.s32 s7, s10;
	s8 =	sshrl.u32 s8, $0x3  }
0xc: {  	s6 =	sshrl.u32 s6, $0x3;
	s11 =	sadd.s32 s30, s1;
	s8 =	sadd.s32 s9, s8  }
0xd: {  	s10 =	smax.u32 s14, $0x1;
	s14 =	simm.s32 $0x7D;
	s13 =	sadd.s32 s6, s4  }
0xe: {  	s4 =	sadd.s32 s9, s6;
	s6 =	sadd.s32 $0x2800, s12;
	s11 =	sshrl.u32 s11, $0x3  }
0xf: {  	s12 =	simm.s32 $0x1;
	s9 =	sadd.s32 $0x57800, s13;
	s13 =	simm.s32 $0x2800  }
.LBB2_1:
0x10: {  	[spmem:s11], [sflag:s5] =	dma.local [hbm:s4], $0x2800  }
0x11: {  	_ =	swait.ge [sflag:s12], $0x2800  }
0x12: {  	[sflag:s12] =	ssyncset.done $0x0  }
0x13: {  	[sflag:s12] =	ssyncadd.s32 $0xFFFFD800  }
0x14: {  	[tilespmem:s3], [sflag:$0x1] =	stream.linear.gather [hbm4b:s6+s3], $0x2800, $0x38;
	[tilespmem:$0x1D000] =	vst v63  }
0x15: {  	_ =	swait.ge [sflag:s12], $0x2800  }
0x16: {  	[sflag:s12] =	ssyncset.done $0x0  }
0x17: {  	[sflag:s12] =	ssyncadd.s32 $0xFFFFD800  }
0x18: {  	[tilespmem:s13], [sflag:$0x1] =	stream.linear.gather [hbm4b:s7+s3], $0x2800, $0x38;
	[tilespmem:$0x1D000] =	vst v63  }
0x19: {  	_ =	swait.ge [sflag:s12], $0x2800  }
0x1a: {  	[sflag:s12] =	ssyncset.done $0x0  }
0x1b: {  	[sflag:s12] =	ssyncadd.s32 $0xFFFFD800  }
0x1c: {  	s17 =	simm.s32 $0x0;
	[bflag:$0x0] =	sbarrier.arrive $0xFFFF  }
0x1d: {  	[tilespmem:s15], [sflag:$0x1] =	stream.indirect.gather [hbm4b:s8+s14], $0x80, s17, s14, $0xb8;
	[tilespmem:$0x1D000] =	vst v63  }
0x1e: {  	_ =	swait.ge [sflag:s12], $0x3E80  }
0x1f: {  	[sflag:s12] =	ssyncset.done $0x0  }
0x20: {  	s31 =	simm.s32 $0x2800;
	[sflag:s12] =	ssyncadd.s32 $0xFFFFC180  }
0x21: {  	[spmem:s1] =	stream.indirect.scatter.add.f32 [tilespmem:s15], [sflag:$0x1], $0x80, s31, s14, $0xb8;
	[tilespmem:$0x1D000] =	vst v63  }
0x22: {  	_ =	swait.ge [sflag:s12], $0x3E80  }
0x23: {  	s18 =	simm.s32 $0x400;
	s17 =	simm.s32 $0x200;
	[sflag:s12] =	ssyncset.done $0x0  }
.LBB2_2:
0x24: {  	s19 =	sshra.s32 s17, $0x2  }
0x25: {  	[sflag:s12] =	ssyncadd.s32 $0xFFFFC180;
	s17 =	smov.u32 s18;
	s20 =	sadd.s32 $0x200, s18  }
0x26: {  	[tilespmem:s15], [sflag:$0x1] =	stream.indirect.gather [hbm4b:s8+s14], $0x80, s19, s14, $0xb8;
	[tilespmem:$0x1D000] =	vst v63  }
0x27: {  	p0 =	sne.s32 s18, $0x9E00;
	_ =	swait.ge [sflag:s12], $0x3E80  }
.Ltmp0:
0x28: {  	[sflag:s12] =	ssyncset.done $0x0;
	(pc) =	sbr.rel @p0 .LBB2_2-.Ltmp0, $4  }
0x29: {  	s18 =	sadd.s32 $0x2800, s19;
	[sflag:s12] =	ssyncadd.s32 $0xFFFFC180  }
0x2a: {  	[spmem:s1] =	stream.indirect.scatter.add.f32 [tilespmem:s15], [sflag:$0x1], $0x80, s18, s14, $0xb8;
	[tilespmem:$0x1D000] =	vst v63  }
0x2b: {  	_ =	swait.ge [sflag:s12], $0x3E80  }
0x2c: {  	s18 =	smov.u32 s20;
	[sflag:s12] =	ssyncset.done $0x0  }
0x2d: {  	s17 =	sshra.s32 s17, $0x2;
	[sflag:s12] =	ssyncadd.s32 $0xFFFFC180  }
0x2e: {  	[tilespmem:s15], [sflag:$0x1] =	stream.indirect.gather [hbm4b:s8+s14], $0x80, s17, s14, $0xb8;
	[tilespmem:$0x1D000] =	vst v63  }
0x2f: {  	_ =	swait.ge [sflag:s12], $0x3E80  }
0x30: {  	[sflag:s12] =	ssyncset.done $0x0  }
0x31: {  	s17 =	sadd.s32 $0x2800, s17;
	[sflag:s12] =	ssyncadd.s32 $0xFFFFC180  }
0x32: {  	[spmem:s1] =	stream.indirect.scatter.add.f32 [tilespmem:s15], [sflag:$0x1], $0x80, s17, s14, $0xb8;
	[tilespmem:$0x1D000] =	vst v63  }
0x33: {  	_ =	swait.ge [sflag:s12], $0x3E80  }
0x34: {  	s16 =	sadd.s32 $0x1, s16;
	[sflag:s12] =	ssyncset.done $0x0  }
0x35: {  	p0 =	sne.s32 s16, s10;
	[sflag:s12] =	ssyncadd.s32 $0xFFFFC180  }
.Ltmp1:
0x36: {  	[bflag:$0x0] =	sbarrier.arrive $0xFFFF;
	(pc) =	sbr.rel @p0 .LBB2_1-.Ltmp1, $4  }
0x37: {  	[hbm:s9], [sflag:s5] =	dma.local [spmem:s11], $0x2800  }
0x38: {  	_ =	swait.ge [sflag:s12], $0x2800  }
0x39: {  	[sflag:s12] =	ssyncset.done $0x0  }
0x3a: {  	[sflag:s12] =	ssyncadd.s32 $0xFFFFD800  }
0x3b: {  	_ =	sfence.sel $0x180000  }
0x3c: {  	[bflag:$0x0] =	sbarrier.arrive $0xFFFF  }
0x3d: {  	p0 =	sne.s32 s2, $0x0;
	_ =	strace $0x9000004D  }
0x3e: {  	s0 =	sadd.s32 @!p0 $0x100000, s0;
	[bflag:$0x2] =	sbarrier.arrive $0xFFFF  }
0x3f: {  	[sflag:s0] =	ssyncadd.tile.s32 @!p0 $0x1;
	_ =	shalt  }
.Lfunc_end2:
_tile_overlayer_lowered:
.L_overlay_start_2:
0x40: {  	(tag) =	ssettag $0x2  }
0x41: {  	s0 =	rddreg [dreg:$0x0];
	s2 =	stileid.u32  }
0x42: {  	s1 =	rddreg [dreg:$0x1];
	p0 =	sne.s32 s2, $0x0  }
0x43: {  	s3 =	rddreg [dreg:$0x2];
	[bflag:$0x3] =	sbarrier.arrive $0xFFFF;
	s2 =	simm.s32 @!p0 $0x1C01  }
0x44: {  	[timem:s3], [sflag:s2] =	dma.local @!p0 [hbm:s0], s1  }
0x45: {  	s0 =	simm.s32 @!p0 $0x1  }
0x46: {  	_ =	swait.ge @!p0 [sflag:s0], s1  }
0x47: {  	s1 =	ssub.s32 @!p0 $0x0, s1;
	[sflag:s0] =	ssyncset.done @!p0 $0x0  }
0x48: {  	[sflag:s0] =	ssyncadd.s32 @!p0 s1  }
0x49: {  	[bflag:$0x3] =	sbarrier.arrive $0xFFFF  }
0x4a: {  	_ =	shalt  }

// kernel: kernel.8.cloned.1.call-start
scs
__scs_entry_jumppad:
0x0: {  	(pc) =	sbr.rel $0x88, $3  }
0x1: {  	(tag) =	ssettag $0x0;
	lr =	simm.s32 $0x1  }
0x2: {  	[smem:$0x3F9B] =	sst lr;
	_ =	strace $0xD0000000  }
0x3: {  	_ = 	snop  }
0x4: {  	_ = 	snop  }
0x5: {  	_ = 	snop  }
0x6: {  	_ = 	snop  }
0x7: {  	_ = 	snop  }
__scs_overlays_trampoline_lowered:
0x8: {  	[smem:$0x3FAA] =	sst s0  }
0x9: {  	[smem:$0x3FAB] =	sst s1  }
0xa: {  	[smem:$0x3FAC] =	sst s2  }
0xb: {  	[smem:$0x3FAD] =	sst s3  }
0xc: {  	[smem:$0x3FAE] =	sst s4  }
0xd: {  	[smem:$0x3FAF] =	sst s5  }
0xe: {  	[smem:$0x3FB0] =	sst s6  }
0xf: {  	[smem:$0x3FB1] =	sst s7  }
0x10: {  	[smem:$0x3FB2] =	sst s8  }
0x11: {  	[smem:$0x3FB3] =	sst s9;
	s0 =	simm.s32 @!p0 $0x0  }
0x12: {  	s1 =	sld [smem:$0x3F99];
	s0 =	simm.s32 @p0 $0x1  }
0x13: {  	[smem:$0x3FB4] =	sst s0;
	s0 =	simm.s32 @!p1 $0x0  }
0x14: {  	s2 =	sld [smem:$0x3F98];
	s0 =	simm.s32 @p1 $0x1  }
0x15: {  	[smem:$0x3FB5] =	sst s0;
	s0 =	simm.s32 @!p2 $0x0  }
0x16: {  	s3 =	sld [smem:$0x3FDB];
	s0 =	simm.s32 @p2 $0x1  }
0x17: {  	s4 =	simm.s32 $0x1BF5;
	[smem:$0x3FB7] =	sst s0  }
0x18: {  	s0 =	sld [smem:$0x3F9A];
	_ =	swait.ge [sflag:s4], $0x0  }
0x19: {  	s7 =	sld [smem:$0x3F9B]  }
0x1a: {  	s8 =	sadd.s32 $0xFFFFE003, lr  }
0x1b: {  	s9 =	sadd.s32 $0xFFFFFEF7, lr;
	s5 =	simm.s32 $0xFFFFFFFF;
	p2 =	slt.u32 s8, $0xFFFFF086  }
0x1c: {  	p1 =	slt.u32 s9, $0xF7A;
	s5 =	simm.s32 @!p2 $0x0  }
0x1d: {  	s5 =	simm.s32 @p1 $0x1;
	p0 =	seq.s32 s7, s2  }
0x1e: {  	s7 =	smul.u32 @!p0 $0xF7A, s2;
	p2 =	seq.s32 @!p0 s5, $0x0  }
0x1f: {  	s9 =	smul.u32 $0xF7A, s1;
	s8 =	simm.s32 @!p0 $0x1BF5;
	p2 =	por !p2, p0  }
0x20: {  	[sflag:s8] =	ssyncset.s32 @!p0 $0xFFFFF086;
	s6 =	sadd.s32 @!p0 s3, s7;
	s7 =	simm.s32 @!p0 $0x108  }
0x21: {  	s3 =	sadd.s32 s3, s9;
	s6 =	sadd.s32 @!p0 $0x88, s6;
	s7 =	simm.s32 @p2 $0x1082  }
0x22: {  	[simem:s7], [sflag:s8] =	dma.local @!p0 [hbm:s6], $0xF7A  }
0x23: {  	s9 =	sor.u32 $0xD0000000, s2;
	s6 =	simm.s32 $0x108;
	_ =	swait.ge @!p0 [sflag:s8], $0x0  }
0x24: {  	s3 =	sadd.s32 $0x88, s3;
	s6 =	simm.s32 @!p1 $0x1082;
	[sflag:s4] =	ssyncset.s32 $0xFFFFF086  }
0x25: {  	[simem:s6], [sflag:s4] =	dma.local [hbm:s3], $0xF7A  }
0x26: {  	[smem:$0x3F9B] =	sst s1;
	(tag) =	ssettag s2;
	_ =	strace s9  }
0x27: {  	s1 =	sld [smem:$0x3FAB]  }
0x28: {  	s2 =	sld [smem:$0x3FAC]  }
0x29: {  	s4 =	sld [smem:$0x3FAE]  }
0x2a: {  	p0 =	seq.s32 s5, $0x0;
	s5 =	sld [smem:$0x3FAF]  }
0x2b: {  	s6 =	sld [smem:$0x3FB0]  }
0x2c: {  	s7 =	sld [smem:$0x3FB1]  }
0x2d: {  	s3 =	simm.s32 $0x108;
	s8 =	sld [smem:$0x3FB2]  }
0x2e: {  	s3 =	simm.s32 @!p0 $0x1082;
	s9 =	sld [smem:$0x3FB3]  }
0x2f: {  	lr =	sadd.s32 s0, s3;
	s0 =	sld [smem:$0x3FAA]  }
0x30: {  	s3 =	sld [smem:$0x3FAD]  }
0x31: {  	[smem:$0x3FB6] =	sst s10  }
0x32: {  	s10 =	sld [smem:$0x3FB4];
	_ =	sdelay $0x3  }
0x33: {  	p0 =	seq.s32 s10, $0x1;
	s10 =	sld [smem:$0x3FB6];
	_ =	sdelay $0x3  }
0x34: {  	[smem:$0x3FB6] =	sst s10  }
0x35: {  	s10 =	sld [smem:$0x3FB5];
	_ =	sdelay $0x3  }
0x36: {  	p1 =	seq.s32 s10, $0x1;
	s10 =	sld [smem:$0x3FB6];
	_ =	sdelay $0x3  }
0x37: {  	[smem:$0x3FB6] =	sst s10  }
0x38: {  	s10 =	sld [smem:$0x3FB7]  }
0x39: {  	_ = 	snop;
	(pc) =	sbr.ind lr, $3  }
0x3a: {  	_ = 	snop  }
0x3b: {  	_ = 	snop  }
0x3c: {  	p2 =	seq.s32 s10, $0x1;
	s10 =	sld [smem:$0x3FB6]  }
0x3d: {  	_ =	shalt  }
0x3e: {  	_ =	shalt  }
0x3f: {  	_ =	shalt  }
0x40: {  	_ =	shalt  }
0x41: {  	_ =	shalt  }
0x42: {  	_ =	shalt  }
0x43: {  	_ =	shalt  }
0x44: {  	_ =	shalt  }
0x45: {  	_ =	shalt  }
0x46: {  	_ =	shalt  }
0x47: {  	_ =	shalt  }
0x48: {  	_ =	shalt  }
0x49: {  	_ =	shalt  }
0x4a: {  	_ =	shalt  }
0x4b: {  	_ =	shalt  }
0x4c: {  	_ =	shalt  }
0x4d: {  	_ =	shalt  }
0x4e: {  	_ =	shalt  }
0x4f: {  	_ =	shalt  }
0x50: {  	_ =	shalt  }
0x51: {  	_ =	shalt  }
0x52: {  	_ =	shalt  }
0x53: {  	_ =	shalt  }
0x54: {  	_ =	shalt  }
0x55: {  	_ =	shalt  }
0x56: {  	_ =	shalt  }
0x57: {  	_ =	shalt  }
0x58: {  	_ =	shalt  }
0x59: {  	_ =	shalt  }
0x5a: {  	_ =	shalt  }
0x5b: {  	_ =	shalt  }
0x5c: {  	_ =	shalt  }
0x5d: {  	_ =	shalt  }
0x5e: {  	_ =	shalt  }
0x5f: {  	_ =	shalt  }
0x60: {  	_ =	shalt  }
0x61: {  	_ =	shalt  }
0x62: {  	_ =	shalt  }
0x63: {  	_ =	shalt  }
0x64: {  	_ =	shalt  }
0x65: {  	_ =	shalt  }
0x66: {  	_ =	shalt  }
0x67: {  	_ =	shalt  }
0x68: {  	_ =	shalt  }
0x69: {  	_ =	shalt  }
0x6a: {  	_ =	shalt  }
0x6b: {  	_ =	shalt  }
0x6c: {  	_ =	shalt  }
0x6d: {  	_ =	shalt  }
0x6e: {  	_ =	shalt  }
0x6f: {  	_ =	shalt  }
0x70: {  	_ =	shalt  }
0x71: {  	_ =	shalt  }
0x72: {  	_ =	shalt  }
0x73: {  	_ =	shalt  }
0x74: {  	_ =	shalt  }
0x75: {  	_ =	shalt  }
0x76: {  	_ =	shalt  }
0x77: {  	_ =	shalt  }
0x78: {  	_ =	shalt  }
0x79: {  	_ =	shalt  }
0x7a: {  	_ =	shalt  }
0x7b: {  	_ =	shalt  }
0x7c: {  	_ =	shalt  }
0x7d: {  	_ =	shalt  }
0x7e: {  	_ =	shalt  }
0x7f: {  	_ =	shalt  }
0x80: {  	_ =	shalt  }
0x81: {  	_ =	shalt  }
0x82: {  	_ =	shalt  }
0x83: {  	_ =	shalt  }
0x84: {  	_ =	shalt  }
0x85: {  	_ =	shalt  }
0x86: {  	_ =	shalt  }
0x87: {  	_ =	shalt  }
.Lfunc_end0:
.L_simem_size_0:
called_computation_lowered:
.L_overlay_start_0:
0x88: {  	s2 =	sld [smem:$0x3FD9]  }
0x89: {  	s3 =	sld [smem:$0x3FFE];
	_ =	sdelay $0x1  }
0x8a: {  	s1 =	srdreg.scid  }
0x8b: {  	s0 =	sand.u32 $0x1, s1  }
0x8c: {  	s17 =	sshll.u32 s0, $0xA;
	s2 =	sadd.s32 s3, s2  }
0x8d: {  	s2 =	sadd.s32 s2, s17  }
0x8e: {  	[smem:$0x3FC2] =	sst s2  }
0x8f: {  	_ = 	snop  }
0x90: {  	s2 =	sld [smem:$0x3FD0];
	(tm) =	ssettm $0x1  }
0x91: {  	s18 =	sld [smem:$0x3FFB];
	_ =	sdelay $0x3  }
0x92: {  	_ =	strace s18  }
0x93: {  	s3 =	sld [smem:$0x3FFC];
	_ =	sdelay $0x3  }
0x94: {  	_ =	strace s3  }
0x95: {  	s3 =	sld [smem:$0x3FFD];
	_ =	sdelay $0x3  }
0x96: {  	_ =	strace s3  }
0x97: {  	_ =	strace $0x8FFFFFFF  }
0x98: {  	s19 =	sld [smem:$0x3FDB];
	_ =	sdelay $0x1  }
0x99: {  	s4 =	simm.s32 $_scs_section_size  }
0x9a: {  	s5 =	simm.s32 $_size__tile_overlayer_lowered;
	s6 =	simm.s32 $_tile_overlayer_lowered  }
0x9b: {  	s22 =	simm.s32 $0x1BFF;
	s21 =	sshll.u32 s6, $0x1;
	s3 =	sadd.s32 s4, s19  }
0x9c: {  	s7 =	simm.s32 $0x0;
	s20 =	sshll.u32 s5, $0x1;
	s5 =	sadd.s32 s21, s3  }
0x9d: {  	[timem:s7], [sflag:s22] =	dma.local [hbm:s5], s20  }
0x9e: {  	_ =	swait.ge [sflag:s22], s20  }
0x9f: {  	s4 =	ssub.s32 $0x0, s20;
	[sflag:s22] =	ssyncset.done $0x0  }
0xa0: {  	[sflag:s22] =	ssyncadd.s32 s4;
	_ =	sdelay $0x1  }
0xa1: {  	s23 =	simm.s32 $0x1B8B  }
0xa2: {  	_ =	swait.ge [sflag:s23], $0x1  }
0xa3: {  	[sflag:s23] =	ssyncset.done $0x0  }
0xa4: {  	s25 =	simm.s32 $0x1B8E;
	s24 =	sld [smem:$0x3FFE];
	[sflag:s23] =	ssyncadd.s32 $0xFFFFFFFF  }
0xa5: {  	s26 =	simm.s32 $execute0_lowered;
	[smem:$0x3FD2] =	sst s25  }
0xa6: {  	s5 =	sshll.u32 s26, $0x1;
	_ =	strace $0x80000046;
	[dreg:$0x1] =	wrdreg $0xFFFFFFFF  }
0xa7: {  	s28 =	simm.s32 $_size_execute0_lowered;
	s3 =	sadd.s32 s3, s5;
	[dreg:$0x0] =	wrdreg $0x0  }
0xa8: {  	s5 =	sshll.u32 s28, $0x1;
	[dreg:$0x2] =	wrdreg s3  }
0xa9: {  	[dreg:$0x3] =	wrdreg s5  }
0xaa: {  	[dreg:$0x4] =	wrdreg $0xC0  }
0xab: {  	_ =	task [dreg:s7], $0x5FFFF  }
0xac: {  	[dreg:$0x1] =	wrdreg $0xFFFFFFFF  }
0xad: {  	[dreg:$0x0] =	wrdreg $0x60  }
0xae: {  	[dreg:$0x2] =	wrdreg s2  }
0xaf: {  	[dreg:$0x3] =	wrdreg s24  }
0xb0: {  	[dreg:$0x4] =	wrdreg $0x14800  }
0xb1: {  	[dreg:$0x5] =	wrdreg $0x9  }
0xb2: {  	_ =	task.clear_ibuf [dreg:s7], $0x6FFFF;
	_ =	strace $0x90000046  }
0xb3: {  	s29 =	simm.s32 $0x9;
	_ =	strace $0x80000048  }
0xb4: {  	_ =	swait.ge [sflag:s29], $0x1  }
0xb5: {  	[sflag:s29] =	ssyncadd.s32 $0xFFFFFFFF  }
0xb6: {  	_ =	strace $0x90000048  }
0xb7: {  	_ =	sfence  }
0xb8: {  	s30 =	sld [smem:$0x0];
	_ =	sdelay $0x2  }
0xb9: {  	s31 =	sshll.u32 s1, $0xD;
	s1 =	sshrl.u32 s1, $0x2  }
0xba: {  	s3 =	sand.u32 $0x4000, s31;
	s1 =	sadd.s32 s1, s30  }
0xbb: {  	s0 =	sor.u32 s3, s0;
	s1 =	sshll.u32 s1, $0x11  }
0xbc: {  	s0 =	sor.u32 s1, s0  }
0xbd: {  	s0 =	sadd.s32 $0x8F2B, s0  }
0xbe: {  	[sflag:s0] =	ssyncadd.remote.s32 $0x1  }
0xbf: {  	_ =	sfence.sel $0xFFFF  }
0xc0: {  	[dreg:$0x0] =	wrdreg $0xFFFFFFFF;
	(pc) =	sbr.abs _section_cstart, $3  }
0xc1: {  	[dreg:$0x1] =	wrdreg $0xFFFFFFFF  }
0xc2: {  	_ =	task.clear_ibuf [dreg:s7], $0x2FFFF;
	_ =	strace $0x9FFFFFFF  }
0xc3: {  	(tm) =	ssettm $0x7FFFFFFF  }
tec
execute0_lowered:
.L_overlay_start_1:
0x0: {  	(tag) =	ssettag $0x1  }
0x1: {  	s7 =	rddreg [dreg:$0x0]  }
0x2: {  	s5 =	rddreg [dreg:$0x1]  }
0x3: {  	s2 =	rddreg [dreg:$0x2]  }
0x4: {  	s1 =	stileid.u32;
	s0 =	rddreg [dreg:$0x3];
	s3 =	simm.s32 $0x0  }
0x5: {  	s4 =	srdreg.scid;
	s13 =	simm.s32 $0x7D;
	s14 =	simm.s32 $0x20  }
0x6: {  	s15 =	simm.s32 $0x10;
	s16 =	simm.s32 $0x0;
	s6 =	smul.u32 $0x280, s1  }
0x7: {  	[smem:$0x7FF] =	sst s3;
	s9 =	sand.u32 $0x1, s4;
	s10 =	smul.u32 $0x500, s1  }
0x8: {  	s4 =	sadd.s32 $0x1600, s5;
	s31 =	sshll.u32 s1, $0x6;
	_ =	strace $0x80000047  }
0x9: {  	s11 =	sshll.u32 s9, $0x7;
	s29 =	sshll.u32 s9, $0x4;
	s9 =	ssub.s32 $0x2, s9  }
0xa: {  	s8 =	sshrl.u32 s6, $0x3;
	s10 =	sor.u32 s11, s10;
	s11 =	sor.u32 s1, s29  }
0xb: {  	s30 =	sshrl.u32 s9, $0x1;
	s12 =	sadd.s32 s6, s2;
	s6 =	sor.u32 $0x1C01, s31  }
0xc: {  	s8 =	sadd.s32 s8, s5;
	s10 =	sshrl.u32 s10, $0x3;
	s11 =	smul.u32 $0x280, s11  }
0xd: {  	s9 =	ssub.s32 s9, s30;
	s10 =	sadd.s32 s10, s5;
	s5 =	sadd.s32 $0x1800, s8  }
0xe: {  	s9 =	smax.u32 s9, $0x1;
	s7 =	sadd.s32 s7, s11;
	s8 =	sadd.s32 $0x1E00, s10  }
0xf: {  	s10 =	sshrl.u32 s12, $0x3;
	s11 =	simm.s32 $0x1;
	s12 =	simm.s32 $0x1400  }
.LBB2_1:
0x10: {  	[spmem:s10], [sflag:s6] =	dma.local [hbm:s5], $0x50  }
0x11: {  	_ =	swait.ge [sflag:s11], $0x50  }
0x12: {  	[sflag:s11] =	ssyncset.done $0x0  }
0x13: {  	[sflag:s11] =	ssyncadd.s32 $0xFFFFFFB0  }
0x14: {  	[tilespmem:s12], [sflag:$0x1] =	stream.linear.gather [hbm4b:s4+s3], $0x80, $0x38;
	[tilespmem:$0x1700] =	vst v63  }
0x15: {  	_ =	swait.ge [sflag:s11], $0x80  }
0x16: {  	[sflag:s11] =	ssyncset.done $0x0  }
0x17: {  	[sflag:s11] =	ssyncadd.s32 $0xFFFFFF80  }
0x18: {  	[tilespmem:s3], [sflag:$0x1] =	stream.linear.gather [hbm4b:s7+s3], $0x1400, $0x38;
	[tilespmem:$0x1700] =	vst v63  }
0x19: {  	_ =	swait.ge [sflag:s11], $0x1400  }
0x1a: {  	[sflag:s11] =	ssyncset.done $0x0  }
0x1b: {  	[sflag:s11] =	ssyncadd.s32 $0xFFFFEC00  }
0x1c: {  	s17 =	simm.s32 $0x0;
	[bflag:$0x0] =	sbarrier.arrive $0xFFFF  }
0x1d: {  	[spmem:s2] =	stream.indirect.scatter.add.f32 [tilespmem:s12], [sflag:$0x1], $0x1, s17, s13, $0xb8;
	[tilespmem:$0x1700] =	vst v63  }
0x1e: {  	_ =	swait.ge [sflag:s11], $0x7D  }
0x1f: {  	s17 =	simm.s32 $0x200;
	[sflag:s11] =	ssyncset.done $0x0  }
.LBB2_2:
0x20: {  	s18 =	sshra.s32 s17, $0x2;
	[sflag:s11] =	ssyncadd.s32 $0xFFFFFF83;
	p0 =	sne.s32 s17, $0x4E00  }
0x21: {  	[spmem:s2] =	stream.indirect.scatter.add.f32 [tilespmem:s12], [sflag:$0x1], $0x1, s18, s13, $0xb8;
	[tilespmem:$0x1700] =	vst v63  }
.Ltmp0:
0x22: {  	_ = 	snop;
	(pc) =	sbr.rel @p0 .LBB2_2-.Ltmp0, $4  }
0x23: {  	_ = 	snop  }
0x24: {  	s17 =	sadd.s32 $0x200, s17  }
0x25: {  	_ =	swait.ge [sflag:s11], $0x7D  }
0x26: {  	[sflag:s11] =	ssyncset.done $0x0  }
0x27: {  	s16 =	sadd.s32 $0x1, s16  }
0x28: {  	[sflag:s11] =	ssyncadd.s32 $0xFFFFFF83;
	p0 =	sne.s32 s16, s9  }
.Ltmp1:
0x29: {  	[bflag:$0x0] =	sbarrier.arrive $0xFFFF;
	(pc) =	sbr.rel @p0 .LBB2_1-.Ltmp1, $4  }
0x2a: {  	[hbm:s8@s14], [sflag:s6] =	dma.strided [spmem:s10@s15], $0x50, s11, $0x10   }
0x2b: {  	_ =	swait.ge [sflag:s11], $0x50  }
0x2c: {  	[sflag:s11] =	ssyncset.done $0x0  }
0x2d: {  	[sflag:s11] =	ssyncadd.s32 $0xFFFFFFB0  }
0x2e: {  	_ =	sfence.sel $0x180000  }
0x2f: {  	[bflag:$0x0] =	sbarrier.arrive $0xFFFF  }
0x30: {  	p0 =	sne.s32 s1, $0x0;
	_ =	strace $0x90000047  }
0x31: {  	s0 =	sadd.s32 @!p0 $0x100000, s0;
	[bflag:$0x2] =	sbarrier.arrive $0xFFFF  }
0x32: {  	[sflag:s0] =	ssyncadd.tile.s32 @!p0 $0x1;
	_ =	shalt  }
.Lfunc_end2:
_tile_overlayer_lowered:
.L_overlay_start_2:
0x33: {  	(tag) =	ssettag $0x2  }
0x34: {  	s0 =	rddreg [dreg:$0x0];
	s2 =	stileid.u32  }
0x35: {  	s1 =	rddreg [dreg:$0x1];
	p0 =	sne.s32 s2, $0x0  }
0x36: {  	s3 =	rddreg [dreg:$0x2];
	[bflag:$0x3] =	sbarrier.arrive $0xFFFF;
	s2 =	simm.s32 @!p0 $0x1C01  }
0x37: {  	[timem:s3], [sflag:s2] =	dma.local @!p0 [hbm:s0], s1  }
0x38: {  	s0 =	simm.s32 @!p0 $0x1  }
0x39: {  	_ =	swait.ge @!p0 [sflag:s0], s1  }
0x3a: {  	s1 =	ssub.s32 @!p0 $0x0, s1;
	[sflag:s0] =	ssyncset.done @!p0 $0x0  }
0x3b: {  	[sflag:s0] =	ssyncadd.s32 @!p0 s1  }
0x3c: {  	[bflag:$0x3] =	sbarrier.arrive $0xFFFF  }
0x3d: {  	_ =	shalt  }

</sc_bundles>
